<compile_context>
chip_gen: v7x
topology: tpu7x:2x2x1
jax: 0.10.2.dev20260603
libtpu: 0.0.44.dev20260713+nightly
codegen_flags: <defaults>
</compile_context>

<pallas_src>
import functools

import jax
import jax.numpy as jnp
from jax import lax
from jax.experimental import pallas as pl
from jax.experimental.pallas import tpu as pltpu
from jax.experimental.pallas import tpu_sc as plsc

V = 2000
V2 = 2048
NUM_ITEMS = V - 2
PAD_ID = NUM_ITEMS
HID = 32
P = 32
NPAD = 1024
def _make_sc_gather(n):
    info = plsc.get_sparse_core_info()
    nc, ns = info.num_cores, info.num_subcores
    nw = nc * ns
    b_per_w = NPAD // nw
    mesh = plsc.VectorSubcoreMesh(core_axis_name="c", subcore_axis_name="s")

    @functools.partial(
        pl.kernel, mesh=mesh,
        out_type=pltpu.HBM((NPAD, V2), jnp.float32),
        scratch_types=[
            pltpu.VMEM((b_per_w,), jnp.int32),
            pltpu.VMEM((b_per_w, V2), jnp.float32),
            pltpu.SemaphoreType.DMA,
        ],
    )
    def sc_gather(table_hbm, idx_hbm, out, idx_v, rows, sem):
        wid = lax.axis_index("s") * nc + lax.axis_index("c")
        base = wid * b_per_w
        nactive = -(-n // b_per_w)

        @pl.when(wid < nactive)
        def _():
            pltpu.sync_copy(idx_hbm.at[pl.ds(base, b_per_w)], idx_v)
            pltpu.async_copy(table_hbm.at[idx_v], rows, sem).wait()
            pltpu.sync_copy(rows, out.at[pl.ds(base, b_per_w)])

    return sc_gather


_GK = 0.7978845608028654
_GKA = _GK * 0.044715


def _tc_body(src_ref, dst_ref, pop_ref, dmat_ref,
             w1t_ref, w2h_ref, b2_ref, lab_ref, out_ref):
    pop = pop_ref[...]
    inv = jnp.where(pop == 0.0, 0.0,
                    1.0 / jnp.where(pop == 0.0, 1.0, pop))
    a = (src_ref[...] * inv).astype(jnp.bfloat16)
    b = (dst_ref[...] * inv).astype(jnp.bfloat16)
    dm = dmat_ref[...].astype(jnp.bfloat16)
    w1b = w1t_ref[...].astype(jnp.bfloat16)
    w2b = w2h_ref[...].astype(jnp.bfloat16)

    acc = jnp.zeros((P, V2), jnp.bfloat16)
    for h in range(HID):
        u = w1b[h:h + 1, 0:1]
        w = w1b[h:h + 1, 1:2]
        x = a * u + b * w + dm[h:h + 1, :]
        s = x * x
        th = jnp.tanh(x * (s * jnp.bfloat16(_GKA) + jnp.bfloat16(_GK)))
        v = x * w2b[h:h + 1, 0:1]
        acc = acc + v + v * th
    logits = acc.astype(jnp.float32) + b2_ref[0:1, 0:1]

    col = lax.broadcasted_iota(jnp.int32, (1, V2), 1)
    valid = col < NUM_ITEMS
    neg = jnp.where(valid, logits, -jnp.inf)
    m = jnp.max(neg, axis=1, keepdims=True)
    s = jnp.sum(jnp.where(valid, jnp.exp(logits - m), 0.0),
                axis=1, keepdims=True)
    lab = lab_ref[0]
    pick = jnp.sum(jnp.where(col == lab, logits, 0.0),
                   axis=1, keepdims=True)
    loss = jnp.log(s) + m - pick
    out_ref[...] = loss.reshape(1, P, 1)


def _tc_loss(src_g, dst_g, pop2, popn, W1, b1, W2, b2, lab, n):
    nblk = n // P
    dmat = jnp.pad(W1[2][:, None] * popn + b1[:, None],
                   ((0, 0), (0, V2 - V)))
    return pl.pallas_call(
        _tc_body,
        grid=(nblk,),
        in_specs=[
            pl.BlockSpec((P, V2), lambda i: (i, 0)),
            pl.BlockSpec((P, V2), lambda i: (i, 0)),
            pl.BlockSpec((1, V2), lambda i: (0, 0)),
            pl.BlockSpec((HID, V2), lambda i: (0, 0)),
            pl.BlockSpec((HID, 3), lambda i: (0, 0)),
            pl.BlockSpec((HID, 1), lambda i: (0, 0)),
            pl.BlockSpec((1, 1), lambda i: (0, 0)),
            pl.BlockSpec((1, P, 1), lambda i: (i, 0, 0)),
        ],
        out_specs=pl.BlockSpec((1, P, 1), lambda i: (i, 0, 0)),
        out_shape=jax.ShapeDtypeStruct((nblk, P, 1), jnp.float32),
    )(src_g, dst_g, pop2, dmat,
      W1.T, (0.5 * W2), b2.reshape(1, 1),
      lab.reshape(nblk, P, 1)).reshape(n)


@jax.jit
def kernel(st_src, st_dst, pop_biases, pop_biases_norm, W1, b1, W2, b2,
           masked_sequences, labels, positions):
    B, L = masked_sequences.shape
    n = B * L

    seqs = jnp.maximum(masked_sequences, 0)
    pad_col = jnp.full((B, 1), PAD_ID, dtype=seqs.dtype)
    src_idx = jnp.concatenate([pad_col, seqs[:, :-1]], axis=1).reshape(n)
    dst_idx = jnp.concatenate([seqs[:, 1:], pad_col], axis=1).reshape(n)
    zpad = jnp.zeros((NPAD - n,), jnp.int32)
    src_idx = jnp.concatenate([src_idx, zpad])
    dst_idx = jnp.concatenate([dst_idx, zpad])
    lab = jnp.maximum(labels, 0).reshape(n)

    cpad = ((0, 0), (0, V2 - V))
    gather = _make_sc_gather(n)
    src2 = jnp.pad(st_src, cpad)
    src_g = gather(src2, src_idx)
    dst2 = jnp.pad(st_dst, cpad)
    dst_g = gather(dst2, dst_idx)
    pop2 = jnp.pad(pop_biases, cpad)

    return _tc_loss(src_g, dst_g, pop2, pop_biases_norm.reshape(1, V),
                    W1, b1, W2, b2, lab, n)

# --- scband reference (transcript-rebuilt; emitter-appended) ---
"""Pipeline reference for scband-bias-bertmodel-3805341024371 (READ-ONLY COPY).

The authoritative reference and input builder live on the scoring server;
editing this copy changes nothing except your own understanding.
"""

import jax, jax.numpy as jnp
import numpy as np

V = 2000
NUM_SPECIAL = 2
NUM_ITEMS = V - NUM_SPECIAL
PAD_ID = NUM_ITEMS
B = 16
L = 50
HID = 32


def _divide_no_nan(num, den):
    safe = jnp.where(den == 0.0, 1.0, den)
    return jnp.where(den == 0.0, 0.0, num / safe)


def setup_inputs(seed: int = 0) -> dict:
    key = jax.random.key(seed)
    ks = jax.random.split(key, 8)
    trans = jax.random.uniform(ks[0], (V, V), dtype=jnp.float32)
    st_src = trans
    st_dst = trans.T
    pop_biases = jnp.sum(trans, axis=-1).reshape(1, V)
    pop_biases_norm = (pop_biases / jnp.sum(pop_biases)).reshape(1, 1, V).astype(jnp.float32)
    W1 = jax.random.normal(ks[1], (3, HID), dtype=jnp.float32) * 0.5
    b1 = jnp.zeros((HID,), jnp.float32)
    W2 = jax.random.normal(ks[2], (HID, 1), dtype=jnp.float32) * 0.5
    b2 = jnp.zeros((1,), jnp.float32)
    masked_sequences = jax.random.randint(ks[3], (B, L), 0, V, dtype=jnp.int32)
    labels = jax.random.randint(ks[4], (B, L), 0, NUM_ITEMS, dtype=jnp.int32)
    positions = jax.random.randint(ks[5], (B, L), 0, L, dtype=jnp.int32)
    return {"st_src": st_src, "st_dst": st_dst, "pop_biases": pop_biases, "pop_biases_norm": pop_biases_norm, "W1": W1, "b1": b1, "W2": W2, "b2": b2, "masked_sequences": masked_sequences, "labels": labels, "positions": positions}


def _get_biases(st_src, st_dst, pop_biases, pop_biases_norm, W1, b1, W2, b2, masked_sequences):
    seqs = jnp.maximum(masked_sequences, 0)
    pad_col = jnp.full((seqs.shape[0], 1), PAD_ID, dtype=seqs.dtype)
    shift_src = jnp.concatenate([pad_col, seqs[:, :-1]], axis=1)
    shift_dst = jnp.concatenate([seqs[:, 1:], pad_col], axis=1)
    mc_src = _divide_no_nan(jnp.take(st_src, shift_src, axis=0), pop_biases)
    mc_dst = _divide_no_nan(jnp.take(st_dst, shift_dst, axis=0), pop_biases)
    pop = jnp.broadcast_to(pop_biases_norm, mc_src.shape)
    concat = jnp.stack([mc_src, mc_dst, pop], axis=-1)
    hidden = jax.nn.gelu(concat @ W1 + b1)
    result = jnp.squeeze(hidden @ W2 + b2, axis=-1)
    return result[:, :, :NUM_ITEMS]


def _loss_per_list(gt, logits):
    valid = gt[:, 0] >= 0.0
    gt_clean = jnp.where(valid[:, None], gt, 0.0)
    logp = jax.nn.log_softmax(logits, axis=-1)
    per_list = -jnp.sum(gt_clean * logp, axis=-1)
    return per_list * valid.astype(jnp.float32)


def reference(st_src, st_dst, pop_biases, pop_biases_norm, W1, b1, W2, b2, masked_sequences, labels, positions):
    Bn, Ln = labels.shape
    pos_idx = jnp.maximum(labels, 0)
    bi = jnp.broadcast_to(jnp.arange(Bn)[:, None], (Bn, Ln))
    li = jnp.broadcast_to(jnp.arange(Ln)[None, :], (Bn, Ln))
    gt = jnp.zeros((Bn, Ln, NUM_ITEMS), jnp.float32).at[bi, li, pos_idx].add(1.0)
    use_mask = (labels != -100).astype(jnp.float32)[..., None]
    gt = use_mask * gt + (-100.0) * (1.0 - use_mask)
    biases = _get_biases(st_src, st_dst, pop_biases, pop_biases_norm, W1, b1, W2, b2, masked_sequences)
    gt2 = gt.reshape(Bn * Ln, NUM_ITEMS)
    lg2 = biases.reshape(Bn * Ln, NUM_ITEMS)
    return _loss_per_list(gt2, lg2)

if __name__ == "__main__":
    import jax
    _d = setup_inputs()
    print(jax.jit(kernel)(*tuple(_d.values())))

</pallas_src>

<mosaic_0001>
#map = affine_map<(d0, d1) -> (0, 0)>
#map1 = affine_map<(d0, d1) -> (0)>
module attributes {stable_mosaic.version = 14 : i64} {
  func.func @sc_gather(%arg0: i32, %arg1: i32, %arg2: memref<2000x2048xf32, #tpu.memory_space<hbm>>, %arg3: memref<1024xi32, #tpu.memory_space<hbm>>, %arg4: memref<1024x2048xf32, #tpu.memory_space<hbm>>, %arg5: memref<32xi32, #tpu.memory_space<vmem>>, %arg6: memref<32x2048xf32, #tpu.memory_space<vmem>>, %arg7: memref<!tpu.dma_semaphore, #tpu.memory_space<semaphore_mem>>) attributes {dimension_semantics = [#tpu.dimension_semantics<core_parallel>, #tpu.dimension_semantics<subcore_parallel>], iteration_bounds = array<i64: 2, 16>, scalar_prefetch = 0 : i64, scratch_operands = 3 : i64, tpu.core_type = #tpu.core_type<sc_vector_subcore>, window_params = [{transform_indices = #map}, {transform_indices = #map1}, {transform_indices = #map}]} {
    %mul3A = arith.constant 2 : i32
    %mul3A_0 = arith.muli %arg1, %mul3A : i32
    %add3A = arith.addi %mul3A_0, %arg0 : i32
    %mul3A_1 = arith.constant 32 : i32
    %mul3A_2 = arith.muli %add3A, %mul3A_1 : i32
    %lt3A = arith.constant 25 : i32
    %lt3A_3 = arith.cmpi slt, %add3A, %lt3A : i32
    %convert_element_type3A = arith.extui %lt3A_3 : i1 to i32
    %cond3A = arith.constant 0 : i32
    %cond3A_4 = arith.cmpi ne, %convert_element_type3A, %cond3A : i32
    scf.if %cond3A_4 {
      "tpu.region"() ({
        %run_scoped3A = tpu.sem_alloc : memref<!tpu.dma_semaphore, #tpu.memory_space<semaphore_mem>>
        %dma_start3A_9 = tpu.memref_slice %arg3[%mul3A_2] : memref<1024xi32, #tpu.memory_space<hbm>> -> memref<32xi32, #tpu.memory_space<hbm>>
        %dma_start3A_10 = tpu.memref_slice %arg3[%mul3A_2] : memref<1024xi32, #tpu.memory_space<hbm>> -> memref<32xi32, #tpu.memory_space<hbm>>
        tpu.enqueue_dma source(%dma_start3A_10 : memref<32xi32, #tpu.memory_space<hbm>>) target(%arg5 : memref<32xi32, #tpu.memory_space<vmem>>) target_semaphore(%run_scoped3A : memref<!tpu.dma_semaphore, #tpu.memory_space<semaphore_mem>>)
        %dma_wait3A_11 = tpu.memref_slice %arg3[%mul3A_2] : memref<1024xi32, #tpu.memory_space<hbm>> -> memref<32xi32, #tpu.memory_space<hbm>>
        %dma_wait3A_12 = tpu.memref_slice %arg3[%mul3A_2] : memref<1024xi32, #tpu.memory_space<hbm>> -> memref<32xi32, #tpu.memory_space<hbm>>
        tpu.wait_dma2 semaphore(%run_scoped3A : memref<!tpu.dma_semaphore, #tpu.memory_space<semaphore_mem>>) src(%dma_wait3A_12 : memref<32xi32, #tpu.memory_space<hbm>>) dst(%arg5 : memref<32xi32, #tpu.memory_space<vmem>>)
        tpu.yield
      }) : () -> ()
      %dma_start3A = arith.constant 0 : i32
      %dma_start3A_5 = arith.constant 0 : i32
      %dma_start3A_6 = tpu.memref_slice %arg2[%dma_start3A, %dma_start3A_5] : memref<2000x2048xf32, #tpu.memory_space<hbm>> -> memref<2000x2048xf32, #tpu.memory_space<hbm>>
      tpu.enqueue_indirect_dma source(%dma_start3A_6 : memref<2000x2048xf32, #tpu.memory_space<hbm>>) target(%arg6 : memref<32x2048xf32, #tpu.memory_space<vmem>>) offsets(%arg5 : memref<32xi32, #tpu.memory_space<vmem>>) semaphore(%arg7 : memref<!tpu.dma_semaphore, #tpu.memory_space<semaphore_mem>>)
      %dma_wait3A = arith.constant 0 : i32
      %dma_wait3A_7 = arith.constant 0 : i32
      %dma_wait3A_8 = tpu.memref_slice %arg2[%dma_wait3A, %dma_wait3A_7] : memref<2000x2048xf32, #tpu.memory_space<hbm>> -> memref<2000x2048xf32, #tpu.memory_space<hbm>>
      tpu.wait_indirect_dma semaphore(%arg7 : memref<!tpu.dma_semaphore, #tpu.memory_space<semaphore_mem>>) src(%dma_wait3A_8 : memref<2000x2048xf32, #tpu.memory_space<hbm>>) dst(%arg6 : memref<32x2048xf32, #tpu.memory_space<vmem>>)
      "tpu.region"() ({
        %run_scoped3A = tpu.sem_alloc : memref<!tpu.dma_semaphore, #tpu.memory_space<semaphore_mem>>
        %dma_start3A_9 = arith.constant 0 : i32
        %dma_start3A_10 = tpu.memref_slice %arg4[%mul3A_2, %dma_start3A_9] : memref<1024x2048xf32, #tpu.memory_space<hbm>> -> memref<32x2048xf32, #tpu.memory_space<hbm>>
        %dma_start3A_11 = arith.constant 0 : i32
        %dma_start3A_12 = tpu.memref_slice %arg4[%mul3A_2, %dma_start3A_11] : memref<1024x2048xf32, #tpu.memory_space<hbm>> -> memref<32x2048xf32, #tpu.memory_space<hbm>>
        tpu.enqueue_dma source(%arg6 : memref<32x2048xf32, #tpu.memory_space<vmem>>) target(%dma_start3A_12 : memref<32x2048xf32, #tpu.memory_space<hbm>>) target_semaphore(%run_scoped3A : memref<!tpu.dma_semaphore, #tpu.memory_space<semaphore_mem>>)
        %dma_wait3A_13 = arith.constant 0 : i32
        %dma_wait3A_14 = tpu.memref_slice %arg4[%mul3A_2, %dma_wait3A_13] : memref<1024x2048xf32, #tpu.memory_space<hbm>> -> memref<32x2048xf32, #tpu.memory_space<hbm>>
        %dma_wait3A_15 = arith.constant 0 : i32
        %dma_wait3A_16 = tpu.memref_slice %arg4[%mul3A_2, %dma_wait3A_15] : memref<1024x2048xf32, #tpu.memory_space<hbm>> -> memref<32x2048xf32, #tpu.memory_space<hbm>>
        tpu.wait_dma2 semaphore(%run_scoped3A : memref<!tpu.dma_semaphore, #tpu.memory_space<semaphore_mem>>) src(%arg6 : memref<32x2048xf32, #tpu.memory_space<vmem>>) dst(%dma_wait3A_16 : memref<32x2048xf32, #tpu.memory_space<hbm>>)
        tpu.yield
      }) : () -> ()
    } else {
    }
    return
  }
}

#map = affine_map<(d0, d1) -> (0, 0)>
#map1 = affine_map<(d0, d1) -> (0)>
module attributes {stable_mosaic.version = 14 : i64} {
  func.func @sc_gather(%arg0: i32, %arg1: i32, %arg2: memref<2000x2048xf32, #tpu.memory_space<hbm>>, %arg3: memref<1024xi32, #tpu.memory_space<hbm>>, %arg4: memref<1024x2048xf32, #tpu.memory_space<hbm>>, %arg5: memref<32xi32, #tpu.memory_space<vmem>>, %arg6: memref<32x2048xf32, #tpu.memory_space<vmem>>, %arg7: memref<!tpu.dma_semaphore, #tpu.memory_space<semaphore_mem>>) attributes {dimension_semantics = [#tpu.dimension_semantics<core_parallel>, #tpu.dimension_semantics<subcore_parallel>], iteration_bounds = array<i64: 2, 16>, scalar_prefetch = 0 : i64, scratch_operands = 3 : i64, tpu.core_type = #tpu.core_type<sc_vector_subcore>, window_params = [{transform_indices = #map}, {transform_indices = #map1}, {transform_indices = #map}]} {
    %mul3A = arith.constant 2 : i32
    %mul3A_0 = arith.muli %arg1, %mul3A : i32
    %add3A = arith.addi %mul3A_0, %arg0 : i32
    %mul3A_1 = arith.constant 32 : i32
    %mul3A_2 = arith.muli %add3A, %mul3A_1 : i32
    %lt3A = arith.constant 25 : i32
    %lt3A_3 = arith.cmpi slt, %add3A, %lt3A : i32
    %convert_element_type3A = arith.extui %lt3A_3 : i1 to i32
    %cond3A = arith.constant 0 : i32
    %cond3A_4 = arith.cmpi ne, %convert_element_type3A, %cond3A : i32
    scf.if %cond3A_4 {
      "tpu.region"() ({
        %run_scoped3A = tpu.sem_alloc : memref<!tpu.dma_semaphore, #tpu.memory_space<semaphore_mem>>
        %dma_start3A_9 = tpu.memref_slice %arg3[%mul3A_2] : memref<1024xi32, #tpu.memory_space<hbm>> -> memref<32xi32, #tpu.memory_space<hbm>>
        %dma_start3A_10 = tpu.memref_slice %arg3[%mul3A_2] : memref<1024xi32, #tpu.memory_space<hbm>> -> memref<32xi32, #tpu.memory_space<hbm>>
        tpu.enqueue_dma source(%dma_start3A_10 : memref<32xi32, #tpu.memory_space<hbm>>) target(%arg5 : memref<32xi32, #tpu.memory_space<vmem>>) target_semaphore(%run_scoped3A : memref<!tpu.dma_semaphore, #tpu.memory_space<semaphore_mem>>)
        %dma_wait3A_11 = tpu.memref_slice %arg3[%mul3A_2] : memref<1024xi32, #tpu.memory_space<hbm>> -> memref<32xi32, #tpu.memory_space<hbm>>
        %dma_wait3A_12 = tpu.memref_slice %arg3[%mul3A_2] : memref<1024xi32, #tpu.memory_space<hbm>> -> memref<32xi32, #tpu.memory_space<hbm>>
        tpu.wait_dma2 semaphore(%run_scoped3A : memref<!tpu.dma_semaphore, #tpu.memory_space<semaphore_mem>>) src(%dma_wait3A_12 : memref<32xi32, #tpu.memory_space<hbm>>) dst(%arg5 : memref<32xi32, #tpu.memory_space<vmem>>)
        tpu.yield
      }) : () -> ()
      %dma_start3A = arith.constant 0 : i32
      %dma_start3A_5 = arith.constant 0 : i32
      %dma_start3A_6 = tpu.memref_slice %arg2[%dma_start3A, %dma_start3A_5] : memref<2000x2048xf32, #tpu.memory_space<hbm>> -> memref<2000x2048xf32, #tpu.memory_space<hbm>>
      tpu.enqueue_indirect_dma source(%dma_start3A_6 : memref<2000x2048xf32, #tpu.memory_space<hbm>>) target(%arg6 : memref<32x2048xf32, #tpu.memory_space<vmem>>) offsets(%arg5 : memref<32xi32, #tpu.memory_space<vmem>>) semaphore(%arg7 : memref<!tpu.dma_semaphore, #tpu.memory_space<semaphore_mem>>)
      %dma_wait3A = arith.constant 0 : i32
      %dma_wait3A_7 = arith.constant 0 : i32
      %dma_wait3A_8 = tpu.memref_slice %arg2[%dma_wait3A, %dma_wait3A_7] : memref<2000x2048xf32, #tpu.memory_space<hbm>> -> memref<2000x2048xf32, #tpu.memory_space<hbm>>
      tpu.wait_indirect_dma semaphore(%arg7 : memref<!tpu.dma_semaphore, #tpu.memory_space<semaphore_mem>>) src(%dma_wait3A_8 : memref<2000x2048xf32, #tpu.memory_space<hbm>>) dst(%arg6 : memref<32x2048xf32, #tpu.memory_space<vmem>>)
      "tpu.region"() ({
        %run_scoped3A = tpu.sem_alloc : memref<!tpu.dma_semaphore, #tpu.memory_space<semaphore_mem>>
        %dma_start3A_9 = arith.constant 0 : i32
        %dma_start3A_10 = tpu.memref_slice %arg4[%mul3A_2, %dma_start3A_9] : memref<1024x2048xf32, #tpu.memory_space<hbm>> -> memref<32x2048xf32, #tpu.memory_space<hbm>>
        %dma_start3A_11 = arith.constant 0 : i32
        %dma_start3A_12 = tpu.memref_slice %arg4[%mul3A_2, %dma_start3A_11] : memref<1024x2048xf32, #tpu.memory_space<hbm>> -> memref<32x2048xf32, #tpu.memory_space<hbm>>
        tpu.enqueue_dma source(%arg6 : memref<32x2048xf32, #tpu.memory_space<vmem>>) target(%dma_start3A_12 : memref<32x2048xf32, #tpu.memory_space<hbm>>) target_semaphore(%run_scoped3A : memref<!tpu.dma_semaphore, #tpu.memory_space<semaphore_mem>>)
        %dma_wait3A_13 = arith.constant 0 : i32
        %dma_wait3A_14 = tpu.memref_slice %arg4[%mul3A_2, %dma_wait3A_13] : memref<1024x2048xf32, #tpu.memory_space<hbm>> -> memref<32x2048xf32, #tpu.memory_space<hbm>>
        %dma_wait3A_15 = arith.constant 0 : i32
        %dma_wait3A_16 = tpu.memref_slice %arg4[%mul3A_2, %dma_wait3A_15] : memref<1024x2048xf32, #tpu.memory_space<hbm>> -> memref<32x2048xf32, #tpu.memory_space<hbm>>
        tpu.wait_dma2 semaphore(%run_scoped3A : memref<!tpu.dma_semaphore, #tpu.memory_space<semaphore_mem>>) src(%arg6 : memref<32x2048xf32, #tpu.memory_space<vmem>>) dst(%dma_wait3A_16 : memref<32x2048xf32, #tpu.memory_space<hbm>>)
        tpu.yield
      }) : () -> ()
    } else {
    }
    return
  }
}

module attributes {stable_mosaic.version = 14 : i64} {
  func.func @_tc_body(%arg0: i32, %arg1: memref<32x2048xf32, #tpu.memory_space<vmem>>, %arg2: memref<32x2048xf32, #tpu.memory_space<vmem>>, %arg3: memref<1x2048xf32, #tpu.memory_space<vmem>>, %arg4: memref<32x2048xf32, #tpu.memory_space<vmem>>, %arg5: memref<32x3xf32, #tpu.memory_space<vmem>>, %arg6: memref<32x1xf32, #tpu.memory_space<vmem>>, %arg7: memref<1x1xf32, #tpu.memory_space<vmem>>, %arg8: memref<1x32x1xi32, #tpu.memory_space<vmem>>, %arg9: memref<1x32x1xf32, #tpu.memory_space<vmem>>) attributes {dimension_semantics = [#tpu.dimension_semantics<arbitrary>], iteration_bounds = array<i64: 25>, scalar_prefetch = 0 : i64, scratch_operands = 0 : i64, tpu.core_type = #tpu.core_type<tc>, window_params = [{transform_indices = @transform_0, window_bounds = array<i64: 32, 2048>}, {transform_indices = @transform_1, window_bounds = array<i64: 32, 2048>}, {pipeline_mode = #tpu.pipeline_mode<synchronous>, transform_indices = @transform_2, window_bounds = array<i64: 1, 2048>}, {pipeline_mode = #tpu.pipeline_mode<synchronous>, transform_indices = @transform_3, window_bounds = array<i64: 32, 2048>}, {pipeline_mode = #tpu.pipeline_mode<synchronous>, transform_indices = @transform_4, window_bounds = array<i64: 32, 3>}, {pipeline_mode = #tpu.pipeline_mode<synchronous>, transform_indices = @transform_5, window_bounds = array<i64: 32, 1>}, {pipeline_mode = #tpu.pipeline_mode<synchronous>, transform_indices = @transform_6, window_bounds = array<i64: 1, 1>}, {transform_indices = @transform_7, window_bounds = array<i64: 1, 32, 1>}, {transform_indices = @transform_8, window_bounds = array<i64: 1, 32, 1>}]} {
    %get3A = arith.constant 0 : index
    %get3A_0 = arith.constant 0 : index
    %get3A_1 = vector.load %arg3[%get3A, %get3A_0] : memref<1x2048xf32, #tpu.memory_space<vmem>>, vector<1x2048xf32>
    %eq3A = arith.constant 0.000000e+00 : f32
    %eq3A_2 = vector.broadcast %eq3A : f32 to vector<1x2048xf32>
    %eq3A_3 = arith.cmpf oeq, %get3A_1, %eq3A_2 : vector<1x2048xf32>
    %eq3A_4 = arith.constant 0.000000e+00 : f32
    %eq3A_5 = vector.broadcast %eq3A_4 : f32 to vector<1x2048xf32>
    %eq3A_6 = arith.cmpf oeq, %get3A_1, %eq3A_5 : vector<1x2048xf32>
    %jit3A = arith.constant 1.000000e+00 : f32
    %broadcast_in_dim3A = vector.broadcast %jit3A : f32 to vector<1x2048xf32>
    %select_n3A = arith.select %eq3A_6, %broadcast_in_dim3A, %get3A_1 : vector<1x2048xi1>, vector<1x2048xf32>
    %div3A = arith.constant 1.000000e+00 : f32
    %div3A_7 = vector.broadcast %div3A : f32 to vector<1x2048xf32>
    %div3A_8 = arith.divf %div3A_7, %select_n3A : vector<1x2048xf32>
    %jit3A_9 = arith.constant 0.000000e+00 : f32
    %broadcast_in_dim3A_10 = vector.broadcast %jit3A_9 : f32 to vector<1x2048xf32>
    %select_n3A_11 = arith.select %eq3A_3, %broadcast_in_dim3A_10, %div3A_8 : vector<1x2048xi1>, vector<1x2048xf32>
    %get3A_12 = arith.constant 0 : index
    %get3A_13 = arith.constant 0 : index
    %get3A_14 = vector.load %arg1[%get3A_12, %get3A_13] : memref<32x2048xf32, #tpu.memory_space<vmem>>, vector<32x2048xf32>
    %mul3A = vector.broadcast %select_n3A_11 : vector<1x2048xf32> to vector<32x2048xf32>
    %mul3A_15 = arith.mulf %get3A_14, %mul3A : vector<32x2048xf32>
    %convert_element_type3A = arith.truncf %mul3A_15 : vector<32x2048xf32> to vector<32x2048xbf16>
    %get3A_16 = arith.constant 0 : index
    %get3A_17 = arith.constant 0 : index
    %get3A_18 = vector.load %arg2[%get3A_16, %get3A_17] : memref<32x2048xf32, #tpu.memory_space<vmem>>, vector<32x2048xf32>
    %mul3A_19 = vector.broadcast %select_n3A_11 : vector<1x2048xf32> to vector<32x2048xf32>
    %mul3A_20 = arith.mulf %get3A_18, %mul3A_19 : vector<32x2048xf32>
    %convert_element_type3A_21 = arith.truncf %mul3A_20 : vector<32x2048xf32> to vector<32x2048xbf16>
    %get3A_22 = arith.constant 0 : index
    %get3A_23 = arith.constant 0 : index
    %get3A_24 = vector.load %arg4[%get3A_22, %get3A_23] : memref<32x2048xf32, #tpu.memory_space<vmem>>, vector<32x2048xf32>
    %convert_element_type3A_25 = arith.truncf %get3A_24 : vector<32x2048xf32> to vector<32x2048xbf16>
    %get3A_26 = arith.constant 0 : index
    %get3A_27 = arith.constant 0 : index
    %get3A_28 = vector.load %arg5[%get3A_26, %get3A_27] : memref<32x3xf32, #tpu.memory_space<vmem>>, vector<32x3xf32>
    %convert_element_type3A_29 = arith.truncf %get3A_28 : vector<32x3xf32> to vector<32x3xbf16>
    %get3A_30 = arith.constant 0 : index
    %get3A_31 = arith.constant 0 : index
    %get3A_32 = vector.load %arg6[%get3A_30, %get3A_31] : memref<32x1xf32, #tpu.memory_space<vmem>>, vector<32x1xf32>
    %convert_element_type3A_33 = arith.truncf %get3A_32 : vector<32x1xf32> to vector<32x1xbf16>
    %broadcast_in_dim3A_34 = arith.constant 0.000000e+00 : bf16
    %broadcast_in_dim3A_35 = vector.broadcast %broadcast_in_dim3A_34 : bf16 to vector<32x2048xbf16>
    %slice3A = vector.extract_strided_slice %convert_element_type3A_29 {offsets = [0, 0], sizes = [1, 1], strides = [1, 1]} : vector<32x3xbf16> to vector<1x1xbf16>
    %slice3A_36 = vector.extract_strided_slice %convert_element_type3A_29 {offsets = [0, 1], sizes = [1, 1], strides = [1, 1]} : vector<32x3xbf16> to vector<1x1xbf16>
    %mul3A_37 = vector.broadcast %slice3A : vector<1x1xbf16> to vector<32x2048xbf16>
    %mul3A_38 = arith.mulf %convert_element_type3A, %mul3A_37 : vector<32x2048xbf16>
    %mul3A_39 = vector.broadcast %slice3A_36 : vector<1x1xbf16> to vector<32x2048xbf16>
    %mul3A_40 = arith.mulf %convert_element_type3A_21, %mul3A_39 : vector<32x2048xbf16>
    %add3A = arith.addf %mul3A_38, %mul3A_40 : vector<32x2048xbf16>
    %slice3A_41 = vector.extract_strided_slice %convert_element_type3A_25 {offsets = [0, 0], sizes = [1, 2048], strides = [1, 1]} : vector<32x2048xbf16> to vector<1x2048xbf16>
    %add3A_42 = vector.broadcast %slice3A_41 : vector<1x2048xbf16> to vector<32x2048xbf16>
    %add3A_43 = arith.addf %add3A, %add3A_42 : vector<32x2048xbf16>
    %mul3A_44 = arith.mulf %add3A_43, %add3A_43 : vector<32x2048xbf16>
    %mul3A_45 = arith.constant 3.564450e-02 : bf16
    %mul3A_46 = vector.broadcast %mul3A_45 : bf16 to vector<32x2048xbf16>
    %mul3A_47 = arith.mulf %mul3A_44, %mul3A_46 : vector<32x2048xbf16>
    %add3A_48 = arith.constant 7.968750e-01 : bf16
    %add3A_49 = vector.broadcast %add3A_48 : bf16 to vector<32x2048xbf16>
    %add3A_50 = arith.addf %mul3A_47, %add3A_49 : vector<32x2048xbf16>
    %mul3A_51 = arith.mulf %add3A_43, %add3A_50 : vector<32x2048xbf16>
    %tanh3A = math.tanh %mul3A_51 : vector<32x2048xbf16>
    %slice3A_52 = vector.extract_strided_slice %convert_element_type3A_33 {offsets = [0, 0], sizes = [1, 1], strides = [1, 1]} : vector<32x1xbf16> to vector<1x1xbf16>
    %mul3A_53 = vector.broadcast %slice3A_52 : vector<1x1xbf16> to vector<32x2048xbf16>
    %mul3A_54 = arith.mulf %add3A_43, %mul3A_53 : vector<32x2048xbf16>
    %add3A_55 = arith.addf %broadcast_in_dim3A_35, %mul3A_54 : vector<32x2048xbf16>
    %mul3A_56 = arith.mulf %mul3A_54, %tanh3A : vector<32x2048xbf16>
    %add3A_57 = arith.addf %add3A_55, %mul3A_56 : vector<32x2048xbf16>
    %slice3A_58 = vector.extract_strided_slice %convert_element_type3A_29 {offsets = [1, 0], sizes = [1, 1], strides = [1, 1]} : vector<32x3xbf16> to vector<1x1xbf16>
    %slice3A_59 = vector.extract_strided_slice %convert_element_type3A_29 {offsets = [1, 1], sizes = [1, 1], strides = [1, 1]} : vector<32x3xbf16> to vector<1x1xbf16>
    %mul3A_60 = vector.broadcast %slice3A_58 : vector<1x1xbf16> to vector<32x2048xbf16>
    %mul3A_61 = arith.mulf %convert_element_type3A, %mul3A_60 : vector<32x2048xbf16>
    %mul3A_62 = vector.broadcast %slice3A_59 : vector<1x1xbf16> to vector<32x2048xbf16>
    %mul3A_63 = arith.mulf %convert_element_type3A_21, %mul3A_62 : vector<32x2048xbf16>
    %add3A_64 = arith.addf %mul3A_61, %mul3A_63 : vector<32x2048xbf16>
    %slice3A_65 = vector.extract_strided_slice %convert_element_type3A_25 {offsets = [1, 0], sizes = [1, 2048], strides = [1, 1]} : vector<32x2048xbf16> to vector<1x2048xbf16>
    %add3A_66 = vector.broadcast %slice3A_65 : vector<1x2048xbf16> to vector<32x2048xbf16>
    %add3A_67 = arith.addf %add3A_64, %add3A_66 : vector<32x2048xbf16>
    %mul3A_68 = arith.mulf %add3A_67, %add3A_67 : vector<32x2048xbf16>
    %mul3A_69 = arith.constant 3.564450e-02 : bf16
    %mul3A_70 = vector.broadcast %mul3A_69 : bf16 to vector<32x2048xbf16>
    %mul3A_71 = arith.mulf %mul3A_68, %mul3A_70 : vector<32x2048xbf16>
    %add3A_72 = arith.constant 7.968750e-01 : bf16
    %add3A_73 = vector.broadcast %add3A_72 : bf16 to vector<32x2048xbf16>
    %add3A_74 = arith.addf %mul3A_71, %add3A_73 : vector<32x2048xbf16>
    %mul3A_75 = arith.mulf %add3A_67, %add3A_74 : vector<32x2048xbf16>
    %tanh3A_76 = math.tanh %mul3A_75 : vector<32x2048xbf16>
    %slice3A_77 = vector.extract_strided_slice %convert_element_type3A_33 {offsets = [1, 0], sizes = [1, 1], strides = [1, 1]} : vector<32x1xbf16> to vector<1x1xbf16>
    %mul3A_78 = vector.broadcast %slice3A_77 : vector<1x1xbf16> to vector<32x2048xbf16>
    %mul3A_79 = arith.mulf %add3A_67, %mul3A_78 : vector<32x2048xbf16>
    %add3A_80 = arith.addf %add3A_57, %mul3A_79 : vector<32x2048xbf16>
    %mul3A_81 = arith.mulf %mul3A_79, %tanh3A_76 : vector<32x2048xbf16>
    %add3A_82 = arith.addf %add3A_80, %mul3A_81 : vector<32x2048xbf16>
    %slice3A_83 = vector.extract_strided_slice %convert_element_type3A_29 {offsets = [2, 0], sizes = [1, 1], strides = [1, 1]} : vector<32x3xbf16> to vector<1x1xbf16>
    %slice3A_84 = vector.extract_strided_slice %convert_element_type3A_29 {offsets = [2, 1], sizes = [1, 1], strides = [1, 1]} : vector<32x3xbf16> to vector<1x1xbf16>
    %mul3A_85 = vector.broadcast %slice3A_83 : vector<1x1xbf16> to vector<32x2048xbf16>
    %mul3A_86 = arith.mulf %convert_element_type3A, %mul3A_85 : vector<32x2048xbf16>
    %mul3A_87 = vector.broadcast %slice3A_84 : vector<1x1xbf16> to vector<32x2048xbf16>
    %mul3A_88 = arith.mulf %convert_element_type3A_21, %mul3A_87 : vector<32x2048xbf16>
    %add3A_89 = arith.addf %mul3A_86, %mul3A_88 : vector<32x2048xbf16>
    %slice3A_90 = vector.extract_strided_slice %convert_element_type3A_25 {offsets = [2, 0], sizes = [1, 2048], strides = [1, 1]} : vector<32x2048xbf16> to vector<1x2048xbf16>
    %add3A_91 = vector.broadcast %slice3A_90 : vector<1x2048xbf16> to vector<32x2048xbf16>
    %add3A_92 = arith.addf %add3A_89, %add3A_91 : vector<32x2048xbf16>
    %mul3A_93 = arith.mulf %add3A_92, %add3A_92 : vector<32x2048xbf16>
    %mul3A_94 = arith.constant 3.564450e-02 : bf16
    %mul3A_95 = vector.broadcast %mul3A_94 : bf16 to vector<32x2048xbf16>
    %mul3A_96 = arith.mulf %mul3A_93, %mul3A_95 : vector<32x2048xbf16>
    %add3A_97 = arith.constant 7.968750e-01 : bf16
    %add3A_98 = vector.broadcast %add3A_97 : bf16 to vector<32x2048xbf16>
    %add3A_99 = arith.addf %mul3A_96, %add3A_98 : vector<32x2048xbf16>
    %mul3A_100 = arith.mulf %add3A_92, %add3A_99 : vector<32x2048xbf16>
    %tanh3A_101 = math.tanh %mul3A_100 : vector<32x2048xbf16>
    %slice3A_102 = vector.extract_strided_slice %convert_element_type3A_33 {offsets = [2, 0], sizes = [1, 1], strides = [1, 1]} : vector<32x1xbf16> to vector<1x1xbf16>
    %mul3A_103 = vector.broadcast %slice3A_102 : vector<1x1xbf16> to vector<32x2048xbf16>
    %mul3A_104 = arith.mulf %add3A_92, %mul3A_103 : vector<32x2048xbf16>
    %add3A_105 = arith.addf %add3A_82, %mul3A_104 : vector<32x2048xbf16>
    %mul3A_106 = arith.mulf %mul3A_104, %tanh3A_101 : vector<32x2048xbf16>
    %add3A_107 = arith.addf %add3A_105, %mul3A_106 : vector<32x2048xbf16>
    %slice3A_108 = vector.extract_strided_slice %convert_element_type3A_29 {offsets = [3, 0], sizes = [1, 1], strides = [1, 1]} : vector<32x3xbf16> to vector<1x1xbf16>
    %slice3A_109 = vector.extract_strided_slice %convert_element_type3A_29 {offsets = [3, 1], sizes = [1, 1], strides = [1, 1]} : vector<32x3xbf16> to vector<1x1xbf16>
    %mul3A_110 = vector.broadcast %slice3A_108 : vector<1x1xbf16> to vector<32x2048xbf16>
    %mul3A_111 = arith.mulf %convert_element_type3A, %mul3A_110 : vector<32x2048xbf16>
    %mul3A_112 = vector.broadcast %slice3A_109 : vector<1x1xbf16> to vector<32x2048xbf16>
    %mul3A_113 = arith.mulf %convert_element_type3A_21, %mul3A_112 : vector<32x2048xbf16>
    %add3A_114 = arith.addf %mul3A_111, %mul3A_113 : vector<32x2048xbf16>
    %slice3A_115 = vector.extract_strided_slice %convert_element_type3A_25 {offsets = [3, 0], sizes = [1, 2048], strides = [1, 1]} : vector<32x2048xbf16> to vector<1x2048xbf16>
    %add3A_116 = vector.broadcast %slice3A_115 : vector<1x2048xbf16> to vector<32x2048xbf16>
    %add3A_117 = arith.addf %add3A_114, %add3A_116 : vector<32x2048xbf16>
    %mul3A_118 = arith.mulf %add3A_117, %add3A_117 : vector<32x2048xbf16>
    %mul3A_119 = arith.constant 3.564450e-02 : bf16
    %mul3A_120 = vector.broadcast %mul3A_119 : bf16 to vector<32x2048xbf16>
    %mul3A_121 = arith.mulf %mul3A_118, %mul3A_120 : vector<32x2048xbf16>
    %add3A_122 = arith.constant 7.968750e-01 : bf16
    %add3A_123 = vector.broadcast %add3A_122 : bf16 to vector<32x2048xbf16>
    %add3A_124 = arith.addf %mul3A_121, %add3A_123 : vector<32x2048xbf16>
    %mul3A_125 = arith.mulf %add3A_117, %add3A_124 : vector<32x2048xbf16>
    %tanh3A_126 = math.tanh %mul3A_125 : vector<32x2048xbf16>
    %slice3A_127 = vector.extract_strided_slice %convert_element_type3A_33 {offsets = [3, 0], sizes = [1, 1], strides = [1, 1]} : vector<32x1xbf16> to vector<1x1xbf16>
    %mul3A_128 = vector.broadcast %slice3A_127 : vector<1x1xbf16> to vector<32x2048xbf16>
    %mul3A_129 = arith.mulf %add3A_117, %mul3A_128 : vector<32x2048xbf16>
    %add3A_130 = arith.addf %add3A_107, %mul3A_129 : vector<32x2048xbf16>
    %mul3A_131 = arith.mulf %mul3A_129, %tanh3A_126 : vector<32x2048xbf16>
    %add3A_132 = arith.addf %add3A_130, %mul3A_131 : vector<32x2048xbf16>
    %slice3A_133 = vector.extract_strided_slice %convert_element_type3A_29 {offsets = [4, 0], sizes = [1, 1], strides = [1, 1]} : vector<32x3xbf16> to vector<1x1xbf16>
    %slice3A_134 = vector.extract_strided_slice %convert_element_type3A_29 {offsets = [4, 1], sizes = [1, 1], strides = [1, 1]} : vector<32x3xbf16> to vector<1x1xbf16>
    %mul3A_135 = vector.broadcast %slice3A_133 : vector<1x1xbf16> to vector<32x2048xbf16>
    %mul3A_136 = arith.mulf %convert_element_type3A, %mul3A_135 : vector<32x2048xbf16>
    %mul3A_137 = vector.broadcast %slice3A_134 : vector<1x1xbf16> to vector<32x2048xbf16>
    %mul3A_138 = arith.mulf %convert_element_type3A_21, %mul3A_137 : vector<32x2048xbf16>
    %add3A_139 = arith.addf %mul3A_136, %mul3A_138 : vector<32x2048xbf16>
    %slice3A_140 = vector.extract_strided_slice %convert_element_type3A_25 {offsets = [4, 0], sizes = [1, 2048], strides = [1, 1]} : vector<32x2048xbf16> to vector<1x2048xbf16>
    %add3A_141 = vector.broadcast %slice3A_140 : vector<1x2048xbf16> to vector<32x2048xbf16>
    %add3A_142 = arith.addf %add3A_139, %add3A_141 : vector<32x2048xbf16>
    %mul3A_143 = arith.mulf %add3A_142, %add3A_142 : vector<32x2048xbf16>
    %mul3A_144 = arith.constant 3.564450e-02 : bf16
    %mul3A_145 = vector.broadcast %mul3A_144 : bf16 to vector<32x2048xbf16>
    %mul3A_146 = arith.mulf %mul3A_143, %mul3A_145 : vector<32x2048xbf16>
    %add3A_147 = arith.constant 7.968750e-01 : bf16
    %add3A_148 = vector.broadcast %add3A_147 : bf16 to vector<32x2048xbf16>
    %add3A_149 = arith.addf %mul3A_146, %add3A_148 : vector<32x2048xbf16>
    %mul3A_150 = arith.mulf %add3A_142, %add3A_149 : vector<32x2048xbf16>
    %tanh3A_151 = math.tanh %mul3A_150 : vector<32x2048xbf16>
    %slice3A_152 = vector.extract_strided_slice %convert_element_type3A_33 {offsets = [4, 0], sizes = [1, 1], strides = [1, 1]} : vector<32x1xbf16> to vector<1x1xbf16>
    %mul3A_153 = vector.broadcast %slice3A_152 : vector<1x1xbf16> to vector<32x2048xbf16>
    %mul3A_154 = arith.mulf %add3A_142, %mul3A_153 : vector<32x2048xbf16>
    %add3A_155 = arith.addf %add3A_132, %mul3A_154 : vector<32x2048xbf16>
    %mul3A_156 = arith.mulf %mul3A_154, %tanh3A_151 : vector<32x2048xbf16>
    %add3A_157 = arith.addf %add3A_155, %mul3A_156 : vector<32x2048xbf16>
    %slice3A_158 = vector.extract_strided_slice %convert_element_type3A_29 {offsets = [5, 0], sizes = [1, 1], strides = [1, 1]} : vector<32x3xbf16> to vector<1x1xbf16>
    %slice3A_159 = vector.extract_strided_slice %convert_element_type3A_29 {offsets = [5, 1], sizes = [1, 1], strides = [1, 1]} : vector<32x3xbf16> to vector<1x1xbf16>
    %mul3A_160 = vector.broadcast %slice3A_158 : vector<1x1xbf16> to vector<32x2048xbf16>
    %mul3A_161 = arith.mulf %convert_element_type3A, %mul3A_160 : vector<32x2048xbf16>
    %mul3A_162 = vector.broadcast %slice3A_159 : vector<1x1xbf16> to vector<32x2048xbf16>
    %mul3A_163 = arith.mulf %convert_element_type3A_21, %mul3A_162 : vector<32x2048xbf16>
    %add3A_164 = arith.addf %mul3A_161, %mul3A_163 : vector<32x2048xbf16>
    %slice3A_165 = vector.extract_strided_slice %convert_element_type3A_25 {offsets = [5, 0], sizes = [1, 2048], strides = [1, 1]} : vector<32x2048xbf16> to vector<1x2048xbf16>
    %add3A_166 = vector.broadcast %slice3A_165 : vector<1x2048xbf16> to vector<32x2048xbf16>
    %add3A_167 = arith.addf %add3A_164, %add3A_166 : vector<32x2048xbf16>
    %mul3A_168 = arith.mulf %add3A_167, %add3A_167 : vector<32x2048xbf16>
    %mul3A_169 = arith.constant 3.564450e-02 : bf16
    %mul3A_170 = vector.broadcast %mul3A_169 : bf16 to vector<32x2048xbf16>
    %mul3A_171 = arith.mulf %mul3A_168, %mul3A_170 : vector<32x2048xbf16>
    %add3A_172 = arith.constant 7.968750e-01 : bf16
    %add3A_173 = vector.broadcast %add3A_172 : bf16 to vector<32x2048xbf16>
    %add3A_174 = arith.addf %mul3A_171, %add3A_173 : vector<32x2048xbf16>
    %mul3A_175 = arith.mulf %add3A_167, %add3A_174 : vector<32x2048xbf16>
    %tanh3A_176 = math.tanh %mul3A_175 : vector<32x2048xbf16>
    %slice3A_177 = vector.extract_strided_slice %convert_element_type3A_33 {offsets = [5, 0], sizes = [1, 1], strides = [1, 1]} : vector<32x1xbf16> to vector<1x1xbf16>
    %mul3A_178 = vector.broadcast %slice3A_177 : vector<1x1xbf16> to vector<32x2048xbf16>
    %mul3A_179 = arith.mulf %add3A_167, %mul3A_178 : vector<32x2048xbf16>
    %add3A_180 = arith.addf %add3A_157, %mul3A_179 : vector<32x2048xbf16>
    %mul3A_181 = arith.mulf %mul3A_179, %tanh3A_176 : vector<32x2048xbf16>
    %add3A_182 = arith.addf %add3A_180, %mul3A_181 : vector<32x2048xbf16>
    %slice3A_183 = vector.extract_strided_slice %convert_element_type3A_29 {offsets = [6, 0], sizes = [1, 1], strides = [1, 1]} : vector<32x3xbf16> to vector<1x1xbf16>
    %slice3A_184 = vector.extract_strided_slice %convert_element_type3A_29 {offsets = [6, 1], sizes = [1, 1], strides = [1, 1]} : vector<32x3xbf16> to vector<1x1xbf16>
    %mul3A_185 = vector.broadcast %slice3A_183 : vector<1x1xbf16> to vector<32x2048xbf16>
    %mul3A_186 = arith.mulf %convert_element_type3A, %mul3A_185 : vector<32x2048xbf16>
    %mul3A_187 = vector.broadcast %slice3A_184 : vector<1x1xbf16> to vector<32x2048xbf16>
    %mul3A_188 = arith.mulf %convert_element_type3A_21, %mul3A_187 : vector<32x2048xbf16>
    %add3A_189 = arith.addf %mul3A_186, %mul3A_188 : vector<32x2048xbf16>
    %slice3A_190 = vector.extract_strided_slice %convert_element_type3A_25 {offsets = [6, 0], sizes = [1, 2048], strides = [1, 1]} : vector<32x2048xbf16> to vector<1x2048xbf16>
    %add3A_191 = vector.broadcast %slice3A_190 : vector<1x2048xbf16> to vector<32x2048xbf16>
    %add3A_192 = arith.addf %add3A_189, %add3A_191 : vector<32x2048xbf16>
    %mul3A_193 = arith.mulf %add3A_192, %add3A_192 : vector<32x2048xbf16>
    %mul3A_194 = arith.constant 3.564450e-02 : bf16
    %mul3A_195 = vector.broadcast %mul3A_194 : bf16 to vector<32x2048xbf16>
    %mul3A_196 = arith.mulf %mul3A_193, %mul3A_195 : vector<32x2048xbf16>
    %add3A_197 = arith.constant 7.968750e-01 : bf16
    %add3A_198 = vector.broadcast %add3A_197 : bf16 to vector<32x2048xbf16>
    %add3A_199 = arith.addf %mul3A_196, %add3A_198 : vector<32x2048xbf16>
    %mul3A_200 = arith.mulf %add3A_192, %add3A_199 : vector<32x2048xbf16>
    %tanh3A_201 = math.tanh %mul3A_200 : vector<32x2048xbf16>
    %slice3A_202 = vector.extract_strided_slice %convert_element_type3A_33 {offsets = [6, 0], sizes = [1, 1], strides = [1, 1]} : vector<32x1xbf16> to vector<1x1xbf16>
    %mul3A_203 = vector.broadcast %slice3A_202 : vector<1x1xbf16> to vector<32x2048xbf16>
    %mul3A_204 = arith.mulf %add3A_192, %mul3A_203 : vector<32x2048xbf16>
    %add3A_205 = arith.addf %add3A_182, %mul3A_204 : vector<32x2048xbf16>
    %mul3A_206 = arith.mulf %mul3A_204, %tanh3A_201 : vector<32x2048xbf16>
    %add3A_207 = arith.addf %add3A_205, %mul3A_206 : vector<32x2048xbf16>
    %slice3A_208 = vector.extract_strided_slice %convert_element_type3A_29 {offsets = [7, 0], sizes = [1, 1], strides = [1, 1]} : vector<32x3xbf16> to vector<1x1xbf16>
    %slice3A_209 = vector.extract_strided_slice %convert_element_type3A_29 {offsets = [7, 1], sizes = [1, 1], strides = [1, 1]} : vector<32x3xbf16> to vector<1x1xbf16>
    %mul3A_210 = vector.broadcast %slice3A_208 : vector<1x1xbf16> to vector<32x2048xbf16>
    %mul3A_211 = arith.mulf %convert_element_type3A, %mul3A_210 : vector<32x2048xbf16>
    %mul3A_212 = vector.broadcast %slice3A_209 : vector<1x1xbf16> to vector<32x2048xbf16>
    %mul3A_213 = arith.mulf %convert_element_type3A_21, %mul3A_212 : vector<32x2048xbf16>
    %add3A_214 = arith.addf %mul3A_211, %mul3A_213 : vector<32x2048xbf16>
    %slice3A_215 = vector.extract_strided_slice %convert_element_type3A_25 {offsets = [7, 0], sizes = [1, 2048], strides = [1, 1]} : vector<32x2048xbf16> to vector<1x2048xbf16>
    %add3A_216 = vector.broadcast %slice3A_215 : vector<1x2048xbf16> to vector<32x2048xbf16>
    %add3A_217 = arith.addf %add3A_214, %add3A_216 : vector<32x2048xbf16>
    %mul3A_218 = arith.mulf %add3A_217, %add3A_217 : vector<32x2048xbf16>
    %mul3A_219 = arith.constant 3.564450e-02 : bf16
    %mul3A_220 = vector.broadcast %mul3A_219 : bf16 to vector<32x2048xbf16>
    %mul3A_221 = arith.mulf %mul3A_218, %mul3A_220 : vector<32x2048xbf16>
    %add3A_222 = arith.constant 7.968750e-01 : bf16
    %add3A_223 = vector.broadcast %add3A_222 : bf16 to vector<32x2048xbf16>
    %add3A_224 = arith.addf %mul3A_221, %add3A_223 : vector<32x2048xbf16>
    %mul3A_225 = arith.mulf %add3A_217, %add3A_224 : vector<32x2048xbf16>
    %tanh3A_226 = math.tanh %mul3A_225 : vector<32x2048xbf16>
    %slice3A_227 = vector.extract_strided_slice %convert_element_type3A_33 {offsets = [7, 0], sizes = [1, 1], strides = [1, 1]} : vector<32x1xbf16> to vector<1x1xbf16>
    %mul3A_228 = vector.broadcast %slice3A_227 : vector<1x1xbf16> to vector<32x2048xbf16>
    %mul3A_229 = arith.mulf %add3A_217, %mul3A_228 : vector<32x2048xbf16>
    %add3A_230 = arith.addf %add3A_207, %mul3A_229 : vector<32x2048xbf16>
    %mul3A_231 = arith.mulf %mul3A_229, %tanh3A_226 : vector<32x2048xbf16>
    %add3A_232 = arith.addf %add3A_230, %mul3A_231 : vector<32x2048xbf16>
    %slice3A_233 = vector.extract_strided_slice %convert_element_type3A_29 {offsets = [8, 0], sizes = [1, 1], strides = [1, 1]} : vector<32x3xbf16> to vector<1x1xbf16>
    %slice3A_234 = vector.extract_strided_slice %convert_element_type3A_29 {offsets = [8, 1], sizes = [1, 1], strides = [1, 1]} : vector<32x3xbf16> to vector<1x1xbf16>
    %mul3A_235 = vector.broadcast %slice3A_233 : vector<1x1xbf16> to vector<32x2048xbf16>
    %mul3A_236 = arith.mulf %convert_element_type3A, %mul3A_235 : vector<32x2048xbf16>
    %mul3A_237 = vector.broadcast %slice3A_234 : vector<1x1xbf16> to vector<32x2048xbf16>
    %mul3A_238 = arith.mulf %convert_element_type3A_21, %mul3A_237 : vector<32x2048xbf16>
    %add3A_239 = arith.addf %mul3A_236, %mul3A_238 : vector<32x2048xbf16>
    %slice3A_240 = vector.extract_strided_slice %convert_element_type3A_25 {offsets = [8, 0], sizes = [1, 2048], strides = [1, 1]} : vector<32x2048xbf16> to vector<1x2048xbf16>
    %add3A_241 = vector.broadcast %slice3A_240 : vector<1x2048xbf16> to vector<32x2048xbf16>
    %add3A_242 = arith.addf %add3A_239, %add3A_241 : vector<32x2048xbf16>
    %mul3A_243 = arith.mulf %add3A_242, %add3A_242 : vector<32x2048xbf16>
    %mul3A_244 = arith.constant 3.564450e-02 : bf16
    %mul3A_245 = vector.broadcast %mul3A_244 : bf16 to vector<32x2048xbf16>
    %mul3A_246 = arith.mulf %mul3A_243, %mul3A_245 : vector<32x2048xbf16>
    %add3A_247 = arith.constant 7.968750e-01 : bf16
    %add3A_248 = vector.broadcast %add3A_247 : bf16 to vector<32x2048xbf16>
    %add3A_249 = arith.addf %mul3A_246, %add3A_248 : vector<32x2048xbf16>
    %mul3A_250 = arith.mulf %add3A_242, %add3A_249 : vector<32x2048xbf16>
    %tanh3A_251 = math.tanh %mul3A_250 : vector<32x2048xbf16>
    %slice3A_252 = vector.extract_strided_slice %convert_element_type3A_33 {offsets = [8, 0], sizes = [1, 1], strides = [1, 1]} : vector<32x1xbf16> to vector<1x1xbf16>
    %mul3A_253 = vector.broadcast %slice3A_252 : vector<1x1xbf16> to vector<32x2048xbf16>
    %mul3A_254 = arith.mulf %add3A_242, %mul3A_253 : vector<32x2048xbf16>
    %add3A_255 = arith.addf %add3A_232, %mul3A_254 : vector<32x2048xbf16>
    %mul3A_256 = arith.mulf %mul3A_254, %tanh3A_251 : vector<32x2048xbf16>
    %add3A_257 = arith.addf %add3A_255, %mul3A_256 : vector<32x2048xbf16>
    %slice3A_258 = vector.extract_strided_slice %convert_element_type3A_29 {offsets = [9, 0], sizes = [1, 1], strides = [1, 1]} : vector<32x3xbf16> to vector<1x1xbf16>
    %slice3A_259 = vector.extract_strided_slice %convert_element_type3A_29 {offsets = [9, 1], sizes = [1, 1], strides = [1, 1]} : vector<32x3xbf16> to vector<1x1xbf16>
    %mul3A_260 = vector.broadcast %slice3A_258 : vector<1x1xbf16> to vector<32x2048xbf16>
    %mul3A_261 = arith.mulf %convert_element_type3A, %mul3A_260 : vector<32x2048xbf16>
    %mul3A_262 = vector.broadcast %slice3A_259 : vector<1x1xbf16> to vector<32x2048xbf16>
    %mul3A_263 = arith.mulf %convert_element_type3A_21, %mul3A_262 : vector<32x2048xbf16>
    %add3A_264 = arith.addf %mul3A_261, %mul3A_263 : vector<32x2048xbf16>
    %slice3A_265 = vector.extract_strided_slice %convert_element_type3A_25 {offsets = [9, 0], sizes = [1, 2048], strides = [1, 1]} : vector<32x2048xbf16> to vector<1x2048xbf16>
    %add3A_266 = vector.broadcast %slice3A_265 : vector<1x2048xbf16> to vector<32x2048xbf16>
    %add3A_267 = arith.addf %add3A_264, %add3A_266 : vector<32x2048xbf16>
    %mul3A_268 = arith.mulf %add3A_267, %add3A_267 : vector<32x2048xbf16>
    %mul3A_269 = arith.constant 3.564450e-02 : bf16
    %mul3A_270 = vector.broadcast %mul3A_269 : bf16 to vector<32x2048xbf16>
    %mul3A_271 = arith.mulf %mul3A_268, %mul3A_270 : vector<32x2048xbf16>
    %add3A_272 = arith.constant 7.968750e-01 : bf16
    %add3A_273 = vector.broadcast %add3A_272 : bf16 to vector<32x2048xbf16>
    %add3A_274 = arith.addf %mul3A_271, %add3A_273 : vector<32x2048xbf16>
    %mul3A_275 = arith.mulf %add3A_267, %add3A_274 : vector<32x2048xbf16>
    %tanh3A_276 = math.tanh %mul3A_275 : vector<32x2048xbf16>
    %slice3A_277 = vector.extract_strided_slice %convert_element_type3A_33 {offsets = [9, 0], sizes = [1, 1], strides = [1, 1]} : vector<32x1xbf16> to vector<1x1xbf16>
    %mul3A_278 = vector.broadcast %slice3A_277 : vector<1x1xbf16> to vector<32x2048xbf16>
    %mul3A_279 = arith.mulf %add3A_267, %mul3A_278 : vector<32x2048xbf16>
    %add3A_280 = arith.addf %add3A_257, %mul3A_279 : vector<32x2048xbf16>
    %mul3A_281 = arith.mulf %mul3A_279, %tanh3A_276 : vector<32x2048xbf16>
    %add3A_282 = arith.addf %add3A_280, %mul3A_281 : vector<32x2048xbf16>
    %slice3A_283 = vector.extract_strided_slice %convert_element_type3A_29 {offsets = [10, 0], sizes = [1, 1], strides = [1, 1]} : vector<32x3xbf16> to vector<1x1xbf16>
    %slice3A_284 = vector.extract_strided_slice %convert_element_type3A_29 {offsets = [10, 1], sizes = [1, 1], strides = [1, 1]} : vector<32x3xbf16> to vector<1x1xbf16>
    %mul3A_285 = vector.broadcast %slice3A_283 : vector<1x1xbf16> to vector<32x2048xbf16>
    %mul3A_286 = arith.mulf %convert_element_type3A, %mul3A_285 : vector<32x2048xbf16>
    %mul3A_287 = vector.broadcast %slice3A_284 : vector<1x1xbf16> to vector<32x2048xbf16>
    %mul3A_288 = arith.mulf %convert_element_type3A_21, %mul3A_287 : vector<32x2048xbf16>
    %add3A_289 = arith.addf %mul3A_286, %mul3A_288 : vector<32x2048xbf16>
    %slice3A_290 = vector.extract_strided_slice %convert_element_type3A_25 {offsets = [10, 0], sizes = [1, 2048], strides = [1, 1]} : vector<32x2048xbf16> to vector<1x2048xbf16>
    %add3A_291 = vector.broadcast %slice3A_290 : vector<1x2048xbf16> to vector<32x2048xbf16>
    %add3A_292 = arith.addf %add3A_289, %add3A_291 : vector<32x2048xbf16>
    %mul3A_293 = arith.mulf %add3A_292, %add3A_292 : vector<32x2048xbf16>
    %mul3A_294 = arith.constant 3.564450e-02 : bf16
    %mul3A_295 = vector.broadcast %mul3A_294 : bf16 to vector<32x2048xbf16>
    %mul3A_296 = arith.mulf %mul3A_293, %mul3A_295 : vector<32x2048xbf16>
    %add3A_297 = arith.constant 7.968750e-01 : bf16
    %add3A_298 = vector.broadcast %add3A_297 : bf16 to vector<32x2048xbf16>
    %add3A_299 = arith.addf %mul3A_296, %add3A_298 : vector<32x2048xbf16>
    %mul3A_300 = arith.mulf %add3A_292, %add3A_299 : vector<32x2048xbf16>
    %tanh3A_301 = math.tanh %mul3A_300 : vector<32x2048xbf16>
    %slice3A_302 = vector.extract_strided_slice %convert_element_type3A_33 {offsets = [10, 0], sizes = [1, 1], strides = [1, 1]} : vector<32x1xbf16> to vector<1x1xbf16>
    %mul3A_303 = vector.broadcast %slice3A_302 : vector<1x1xbf16> to vector<32x2048xbf16>
    %mul3A_304 = arith.mulf %add3A_292, %mul3A_303 : vector<32x2048xbf16>
    %add3A_305 = arith.addf %add3A_282, %mul3A_304 : vector<32x2048xbf16>
    %mul3A_306 = arith.mulf %mul3A_304, %tanh3A_301 : vector<32x2048xbf16>
    %add3A_307 = arith.addf %add3A_305, %mul3A_306 : vector<32x2048xbf16>
    %slice3A_308 = vector.extract_strided_slice %convert_element_type3A_29 {offsets = [11, 0], sizes = [1, 1], strides = [1, 1]} : vector<32x3xbf16> to vector<1x1xbf16>
    %slice3A_309 = vector.extract_strided_slice %convert_element_type3A_29 {offsets = [11, 1], sizes = [1, 1], strides = [1, 1]} : vector<32x3xbf16> to vector<1x1xbf16>
    %mul3A_310 = vector.broadcast %slice3A_308 : vector<1x1xbf16> to vector<32x2048xbf16>
    %mul3A_311 = arith.mulf %convert_element_type3A, %mul3A_310 : vector<32x2048xbf16>
    %mul3A_312 = vector.broadcast %slice3A_309 : vector<1x1xbf16> to vector<32x2048xbf16>
    %mul3A_313 = arith.mulf %convert_element_type3A_21, %mul3A_312 : vector<32x2048xbf16>
    %add3A_314 = arith.addf %mul3A_311, %mul3A_313 : vector<32x2048xbf16>
    %slice3A_315 = vector.extract_strided_slice %convert_element_type3A_25 {offsets = [11, 0], sizes = [1, 2048], strides = [1, 1]} : vector<32x2048xbf16> to vector<1x2048xbf16>
    %add3A_316 = vector.broadcast %slice3A_315 : vector<1x2048xbf16> to vector<32x2048xbf16>
    %add3A_317 = arith.addf %add3A_314, %add3A_316 : vector<32x2048xbf16>
    %mul3A_318 = arith.mulf %add3A_317, %add3A_317 : vector<32x2048xbf16>
    %mul3A_319 = arith.constant 3.564450e-02 : bf16
    %mul3A_320 = vector.broadcast %mul3A_319 : bf16 to vector<32x2048xbf16>
    %mul3A_321 = arith.mulf %mul3A_318, %mul3A_320 : vector<32x2048xbf16>
    %add3A_322 = arith.constant 7.968750e-01 : bf16
    %add3A_323 = vector.broadcast %add3A_322 : bf16 to vector<32x2048xbf16>
    %add3A_324 = arith.addf %mul3A_321, %add3A_323 : vector<32x2048xbf16>
    %mul3A_325 = arith.mulf %add3A_317, %add3A_324 : vector<32x2048xbf16>
    %tanh3A_326 = math.tanh %mul3A_325 : vector<32x2048xbf16>
    %slice3A_327 = vector.extract_strided_slice %convert_element_type3A_33 {offsets = [11, 0], sizes = [1, 1], strides = [1, 1]} : vector<32x1xbf16> to vector<1x1xbf16>
    %mul3A_328 = vector.broadcast %slice3A_327 : vector<1x1xbf16> to vector<32x2048xbf16>
    %mul3A_329 = arith.mulf %add3A_317, %mul3A_328 : vector<32x2048xbf16>
    %add3A_330 = arith.addf %add3A_307, %mul3A_329 : vector<32x2048xbf16>
    %mul3A_331 = arith.mulf %mul3A_329, %tanh3A_326 : vector<32x2048xbf16>
    %add3A_332 = arith.addf %add3A_330, %mul3A_331 : vector<32x2048xbf16>
    %slice3A_333 = vector.extract_strided_slice %convert_element_type3A_29 {offsets = [12, 0], sizes = [1, 1], strides = [1, 1]} : vector<32x3xbf16> to vector<1x1xbf16>
    %slice3A_334 = vector.extract_strided_slice %convert_element_type3A_29 {offsets = [12, 1], sizes = [1, 1], strides = [1, 1]} : vector<32x3xbf16> to vector<1x1xbf16>
    %mul3A_335 = vector.broadcast %slice3A_333 : vector<1x1xbf16> to vector<32x2048xbf16>
    %mul3A_336 = arith.mulf %convert_element_type3A, %mul3A_335 : vector<32x2048xbf16>
    %mul3A_337 = vector.broadcast %slice3A_334 : vector<1x1xbf16> to vector<32x2048xbf16>
    %mul3A_338 = arith.mulf %convert_element_type3A_21, %mul3A_337 : vector<32x2048xbf16>
    %add3A_339 = arith.addf %mul3A_336, %mul3A_338 : vector<32x2048xbf16>
    %slice3A_340 = vector.extract_strided_slice %convert_element_type3A_25 {offsets = [12, 0], sizes = [1, 2048], strides = [1, 1]} : vector<32x2048xbf16> to vector<1x2048xbf16>
    %add3A_341 = vector.broadcast %slice3A_340 : vector<1x2048xbf16> to vector<32x2048xbf16>
    %add3A_342 = arith.addf %add3A_339, %add3A_341 : vector<32x2048xbf16>
    %mul3A_343 = arith.mulf %add3A_342, %add3A_342 : vector<32x2048xbf16>
    %mul3A_344 = arith.constant 3.564450e-02 : bf16
    %mul3A_345 = vector.broadcast %mul3A_344 : bf16 to vector<32x2048xbf16>
    %mul3A_346 = arith.mulf %mul3A_343, %mul3A_345 : vector<32x2048xbf16>
    %add3A_347 = arith.constant 7.968750e-01 : bf16
    %add3A_348 = vector.broadcast %add3A_347 : bf16 to vector<32x2048xbf16>
    %add3A_349 = arith.addf %mul3A_346, %add3A_348 : vector<32x2048xbf16>
    %mul3A_350 = arith.mulf %add3A_342, %add3A_349 : vector<32x2048xbf16>
    %tanh3A_351 = math.tanh %mul3A_350 : vector<32x2048xbf16>
    %slice3A_352 = vector.extract_strided_slice %convert_element_type3A_33 {offsets = [12, 0], sizes = [1, 1], strides = [1, 1]} : vector<32x1xbf16> to vector<1x1xbf16>
    %mul3A_353 = vector.broadcast %slice3A_352 : vector<1x1xbf16> to vector<32x2048xbf16>
    %mul3A_354 = arith.mulf %add3A_342, %mul3A_353 : vector<32x2048xbf16>
    %add3A_355 = arith.addf %add3A_332, %mul3A_354 : vector<32x2048xbf16>
    %mul3A_356 = arith.mulf %mul3A_354, %tanh3A_351 : vector<32x2048xbf16>
    %add3A_357 = arith.addf %add3A_355, %mul3A_356 : vector<32x2048xbf16>
    %slice3A_358 = vector.extract_strided_slice %convert_element_type3A_29 {offsets = [13, 0], sizes = [1, 1], strides = [1, 1]} : vector<32x3xbf16> to vector<1x1xbf16>
    %slice3A_359 = vector.extract_strided_slice %convert_element_type3A_29 {offsets = [13, 1], sizes = [1, 1], strides = [1, 1]} : vector<32x3xbf16> to vector<1x1xbf16>
    %mul3A_360 = vector.broadcast %slice3A_358 : vector<1x1xbf16> to vector<32x2048xbf16>
    %mul3A_361 = arith.mulf %convert_element_type3A, %mul3A_360 : vector<32x2048xbf16>
    %mul3A_362 = vector.broadcast %slice3A_359 : vector<1x1xbf16> to vector<32x2048xbf16>
    %mul3A_363 = arith.mulf %convert_element_type3A_21, %mul3A_362 : vector<32x2048xbf16>
    %add3A_364 = arith.addf %mul3A_361, %mul3A_363 : vector<32x2048xbf16>
    %slice3A_365 = vector.extract_strided_slice %convert_element_type3A_25 {offsets = [13, 0], sizes = [1, 2048], strides = [1, 1]} : vector<32x2048xbf16> to vector<1x2048xbf16>
    %add3A_366 = vector.broadcast %slice3A_365 : vector<1x2048xbf16> to vector<32x2048xbf16>
    %add3A_367 = arith.addf %add3A_364, %add3A_366 : vector<32x2048xbf16>
    %mul3A_368 = arith.mulf %add3A_367, %add3A_367 : vector<32x2048xbf16>
    %mul3A_369 = arith.constant 3.564450e-02 : bf16
    %mul3A_370 = vector.broadcast %mul3A_369 : bf16 to vector<32x2048xbf16>
    %mul3A_371 = arith.mulf %mul3A_368, %mul3A_370 : vector<32x2048xbf16>
    %add3A_372 = arith.constant 7.968750e-01 : bf16
    %add3A_373 = vector.broadcast %add3A_372 : bf16 to vector<32x2048xbf16>
    %add3A_374 = arith.addf %mul3A_371, %add3A_373 : vector<32x2048xbf16>
    %mul3A_375 = arith.mulf %add3A_367, %add3A_374 : vector<32x2048xbf16>
    %tanh3A_376 = math.tanh %mul3A_375 : vector<32x2048xbf16>
    %slice3A_377 = vector.extract_strided_slice %convert_element_type3A_33 {offsets = [13, 0], sizes = [1, 1], strides = [1, 1]} : vector<32x1xbf16> to vector<1x1xbf16>
    %mul3A_378 = vector.broadcast %slice3A_377 : vector<1x1xbf16> to vector<32x2048xbf16>
    %mul3A_379 = arith.mulf %add3A_367, %mul3A_378 : vector<32x2048xbf16>
    %add3A_380 = arith.addf %add3A_357, %mul3A_379 : vector<32x2048xbf16>
    %mul3A_381 = arith.mulf %mul3A_379, %tanh3A_376 : vector<32x2048xbf16>
    %add3A_382 = arith.addf %add3A_380, %mul3A_381 : vector<32x2048xbf16>
    %slice3A_383 = vector.extract_strided_slice %convert_element_type3A_29 {offsets = [14, 0], sizes = [1, 1], strides = [1, 1]} : vector<32x3xbf16> to vector<1x1xbf16>
    %slice3A_384 = vector.extract_strided_slice %convert_element_type3A_29 {offsets = [14, 1], sizes = [1, 1], strides = [1, 1]} : vector<32x3xbf16> to vector<1x1xbf16>
    %mul3A_385 = vector.broadcast %slice3A_383 : vector<1x1xbf16> to vector<32x2048xbf16>
    %mul3A_386 = arith.mulf %convert_element_type3A, %mul3A_385 : vector<32x2048xbf16>
    %mul3A_387 = vector.broadcast %slice3A_384 : vector<1x1xbf16> to vector<32x2048xbf16>
    %mul3A_388 = arith.mulf %convert_element_type3A_21, %mul3A_387 : vector<32x2048xbf16>
    %add3A_389 = arith.addf %mul3A_386, %mul3A_388 : vector<32x2048xbf16>
    %slice3A_390 = vector.extract_strided_slice %convert_element_type3A_25 {offsets = [14, 0], sizes = [1, 2048], strides = [1, 1]} : vector<32x2048xbf16> to vector<1x2048xbf16>
    %add3A_391 = vector.broadcast %slice3A_390 : vector<1x2048xbf16> to vector<32x2048xbf16>
    %add3A_392 = arith.addf %add3A_389, %add3A_391 : vector<32x2048xbf16>
    %mul3A_393 = arith.mulf %add3A_392, %add3A_392 : vector<32x2048xbf16>
    %mul3A_394 = arith.constant 3.564450e-02 : bf16
    %mul3A_395 = vector.broadcast %mul3A_394 : bf16 to vector<32x2048xbf16>
    %mul3A_396 = arith.mulf %mul3A_393, %mul3A_395 : vector<32x2048xbf16>
    %add3A_397 = arith.constant 7.968750e-01 : bf16
    %add3A_398 = vector.broadcast %add3A_397 : bf16 to vector<32x2048xbf16>
    %add3A_399 = arith.addf %mul3A_396, %add3A_398 : vector<32x2048xbf16>
    %mul3A_400 = arith.mulf %add3A_392, %add3A_399 : vector<32x2048xbf16>
    %tanh3A_401 = math.tanh %mul3A_400 : vector<32x2048xbf16>
    %slice3A_402 = vector.extract_strided_slice %convert_element_type3A_33 {offsets = [14, 0], sizes = [1, 1], strides = [1, 1]} : vector<32x1xbf16> to vector<1x1xbf16>
    %mul3A_403 = vector.broadcast %slice3A_402 : vector<1x1xbf16> to vector<32x2048xbf16>
    %mul3A_404 = arith.mulf %add3A_392, %mul3A_403 : vector<32x2048xbf16>
    %add3A_405 = arith.addf %add3A_382, %mul3A_404 : vector<32x2048xbf16>
    %mul3A_406 = arith.mulf %mul3A_404, %tanh3A_401 : vector<32x2048xbf16>
    %add3A_407 = arith.addf %add3A_405, %mul3A_406 : vector<32x2048xbf16>
    %slice3A_408 = vector.extract_strided_slice %convert_element_type3A_29 {offsets = [15, 0], sizes = [1, 1], strides = [1, 1]} : vector<32x3xbf16> to vector<1x1xbf16>
    %slice3A_409 = vector.extract_strided_slice %convert_element_type3A_29 {offsets = [15, 1], sizes = [1, 1], strides = [1, 1]} : vector<32x3xbf16> to vector<1x1xbf16>
    %mul3A_410 = vector.broadcast %slice3A_408 : vector<1x1xbf16> to vector<32x2048xbf16>
    %mul3A_411 = arith.mulf %convert_element_type3A, %mul3A_410 : vector<32x2048xbf16>
    %mul3A_412 = vector.broadcast %slice3A_409 : vector<1x1xbf16> to vector<32x2048xbf16>
    %mul3A_413 = arith.mulf %convert_element_type3A_21, %mul3A_412 : vector<32x2048xbf16>
    %add3A_414 = arith.addf %mul3A_411, %mul3A_413 : vector<32x2048xbf16>
    %slice3A_415 = vector.extract_strided_slice %convert_element_type3A_25 {offsets = [15, 0], sizes = [1, 2048], strides = [1, 1]} : vector<32x2048xbf16> to vector<1x2048xbf16>
    %add3A_416 = vector.broadcast %slice3A_415 : vector<1x2048xbf16> to vector<32x2048xbf16>
    %add3A_417 = arith.addf %add3A_414, %add3A_416 : vector<32x2048xbf16>
    %mul3A_418 = arith.mulf %add3A_417, %add3A_417 : vector<32x2048xbf16>
    %mul3A_419 = arith.constant 3.564450e-02 : bf16
    %mul3A_420 = vector.broadcast %mul3A_419 : bf16 to vector<32x2048xbf16>
    %mul3A_421 = arith.mulf %mul3A_418, %mul3A_420 : vector<32x2048xbf16>
    %add3A_422 = arith.constant 7.968750e-01 : bf16
    %add3A_423 = vector.broadcast %add3A_422 : bf16 to vector<32x2048xbf16>
    %add3A_424 = arith.addf %mul3A_421, %add3A_423 : vector<32x2048xbf16>
    %mul3A_425 = arith.mulf %add3A_417, %add3A_424 : vector<32x2048xbf16>
    %tanh3A_426 = math.tanh %mul3A_425 : vector<32x2048xbf16>
    %slice3A_427 = vector.extract_strided_slice %convert_element_type3A_33 {offsets = [15, 0], sizes = [1, 1], strides = [1, 1]} : vector<32x1xbf16> to vector<1x1xbf16>
    %mul3A_428 = vector.broadcast %slice3A_427 : vector<1x1xbf16> to vector<32x2048xbf16>
    %mul3A_429 = arith.mulf %add3A_417, %mul3A_428 : vector<32x2048xbf16>
    %add3A_430 = arith.addf %add3A_407, %mul3A_429 : vector<32x2048xbf16>
    %mul3A_431 = arith.mulf %mul3A_429, %tanh3A_426 : vector<32x2048xbf16>
    %add3A_432 = arith.addf %add3A_430, %mul3A_431 : vector<32x2048xbf16>
    %slice3A_433 = vector.extract_strided_slice %convert_element_type3A_29 {offsets = [16, 0], sizes = [1, 1], strides = [1, 1]} : vector<32x3xbf16> to vector<1x1xbf16>
    %slice3A_434 = vector.extract_strided_slice %convert_element_type3A_29 {offsets = [16, 1], sizes = [1, 1], strides = [1, 1]} : vector<32x3xbf16> to vector<1x1xbf16>
    %mul3A_435 = vector.broadcast %slice3A_433 : vector<1x1xbf16> to vector<32x2048xbf16>
    %mul3A_436 = arith.mulf %convert_element_type3A, %mul3A_435 : vector<32x2048xbf16>
    %mul3A_437 = vector.broadcast %slice3A_434 : vector<1x1xbf16> to vector<32x2048xbf16>
    %mul3A_438 = arith.mulf %convert_element_type3A_21, %mul3A_437 : vector<32x2048xbf16>
    %add3A_439 = arith.addf %mul3A_436, %mul3A_438 : vector<32x2048xbf16>
    %slice3A_440 = vector.extract_strided_slice %convert_element_type3A_25 {offsets = [16, 0], sizes = [1, 2048], strides = [1, 1]} : vector<32x2048xbf16> to vector<1x2048xbf16>
    %add3A_441 = vector.broadcast %slice3A_440 : vector<1x2048xbf16> to vector<32x2048xbf16>
    %add3A_442 = arith.addf %add3A_439, %add3A_441 : vector<32x2048xbf16>
    %mul3A_443 = arith.mulf %add3A_442, %add3A_442 : vector<32x2048xbf16>
    %mul3A_444 = arith.constant 3.564450e-02 : bf16
    %mul3A_445 = vector.broadcast %mul3A_444 : bf16 to vector<32x2048xbf16>
    %mul3A_446 = arith.mulf %mul3A_443, %mul3A_445 : vector<32x2048xbf16>
    %add3A_447 = arith.constant 7.968750e-01 : bf16
    %add3A_448 = vector.broadcast %add3A_447 : bf16 to vector<32x2048xbf16>
    %add3A_449 = arith.addf %mul3A_446, %add3A_448 : vector<32x2048xbf16>
    %mul3A_450 = arith.mulf %add3A_442, %add3A_449 : vector<32x2048xbf16>
    %tanh3A_451 = math.tanh %mul3A_450 : vector<32x2048xbf16>
    %slice3A_452 = vector.extract_strided_slice %convert_element_type3A_33 {offsets = [16, 0], sizes = [1, 1], strides = [1, 1]} : vector<32x1xbf16> to vector<1x1xbf16>
    %mul3A_453 = vector.broadcast %slice3A_452 : vector<1x1xbf16> to vector<32x2048xbf16>
    %mul3A_454 = arith.mulf %add3A_442, %mul3A_453 : vector<32x2048xbf16>
    %add3A_455 = arith.addf %add3A_432, %mul3A_454 : vector<32x2048xbf16>
    %mul3A_456 = arith.mulf %mul3A_454, %tanh3A_451 : vector<32x2048xbf16>
    %add3A_457 = arith.addf %add3A_455, %mul3A_456 : vector<32x2048xbf16>
    %slice3A_458 = vector.extract_strided_slice %convert_element_type3A_29 {offsets = [17, 0], sizes = [1, 1], strides = [1, 1]} : vector<32x3xbf16> to vector<1x1xbf16>
    %slice3A_459 = vector.extract_strided_slice %convert_element_type3A_29 {offsets = [17, 1], sizes = [1, 1], strides = [1, 1]} : vector<32x3xbf16> to vector<1x1xbf16>
    %mul3A_460 = vector.broadcast %slice3A_458 : vector<1x1xbf16> to vector<32x2048xbf16>
    %mul3A_461 = arith.mulf %convert_element_type3A, %mul3A_460 : vector<32x2048xbf16>
    %mul3A_462 = vector.broadcast %slice3A_459 : vector<1x1xbf16> to vector<32x2048xbf16>
    %mul3A_463 = arith.mulf %convert_element_type3A_21, %mul3A_462 : vector<32x2048xbf16>
    %add3A_464 = arith.addf %mul3A_461, %mul3A_463 : vector<32x2048xbf16>
    %slice3A_465 = vector.extract_strided_slice %convert_element_type3A_25 {offsets = [17, 0], sizes = [1, 2048], strides = [1, 1]} : vector<32x2048xbf16> to vector<1x2048xbf16>
    %add3A_466 = vector.broadcast %slice3A_465 : vector<1x2048xbf16> to vector<32x2048xbf16>
    %add3A_467 = arith.addf %add3A_464, %add3A_466 : vector<32x2048xbf16>
    %mul3A_468 = arith.mulf %add3A_467, %add3A_467 : vector<32x2048xbf16>
    %mul3A_469 = arith.constant 3.564450e-02 : bf16
    %mul3A_470 = vector.broadcast %mul3A_469 : bf16 to vector<32x2048xbf16>
    %mul3A_471 = arith.mulf %mul3A_468, %mul3A_470 : vector<32x2048xbf16>
    %add3A_472 = arith.constant 7.968750e-01 : bf16
    %add3A_473 = vector.broadcast %add3A_472 : bf16 to vector<32x2048xbf16>
    %add3A_474 = arith.addf %mul3A_471, %add3A_473 : vector<32x2048xbf16>
    %mul3A_475 = arith.mulf %add3A_467, %add3A_474 : vector<32x2048xbf16>
    %tanh3A_476 = math.tanh %mul3A_475 : vector<32x2048xbf16>
    %slice3A_477 = vector.extract_strided_slice %convert_element_type3A_33 {offsets = [17, 0], sizes = [1, 1], strides = [1, 1]} : vector<32x1xbf16> to vector<1x1xbf16>
    %mul3A_478 = vector.broadcast %slice3A_477 : vector<1x1xbf16> to vector<32x2048xbf16>
    %mul3A_479 = arith.mulf %add3A_467, %mul3A_478 : vector<32x2048xbf16>
    %add3A_480 = arith.addf %add3A_457, %mul3A_479 : vector<32x2048xbf16>
    %mul3A_481 = arith.mulf %mul3A_479, %tanh3A_476 : vector<32x2048xbf16>
    %add3A_482 = arith.addf %add3A_480, %mul3A_481 : vector<32x2048xbf16>
    %slice3A_483 = vector.extract_strided_slice %convert_element_type3A_29 {offsets = [18, 0], sizes = [1, 1], strides = [1, 1]} : vector<32x3xbf16> to vector<1x1xbf16>
    %slice3A_484 = vector.extract_strided_slice %convert_element_type3A_29 {offsets = [18, 1], sizes = [1, 1], strides = [1, 1]} : vector<32x3xbf16> to vector<1x1xbf16>
    %mul3A_485 = vector.broadcast %slice3A_483 : vector<1x1xbf16> to vector<32x2048xbf16>
    %mul3A_486 = arith.mulf %convert_element_type3A, %mul3A_485 : vector<32x2048xbf16>
    %mul3A_487 = vector.broadcast %slice3A_484 : vector<1x1xbf16> to vector<32x2048xbf16>
    %mul3A_488 = arith.mulf %convert_element_type3A_21, %mul3A_487 : vector<32x2048xbf16>
    %add3A_489 = arith.addf %mul3A_486, %mul3A_488 : vector<32x2048xbf16>
    %slice3A_490 = vector.extract_strided_slice %convert_element_type3A_25 {offsets = [18, 0], sizes = [1, 2048], strides = [1, 1]} : vector<32x2048xbf16> to vector<1x2048xbf16>
    %add3A_491 = vector.broadcast %slice3A_490 : vector<1x2048xbf16> to vector<32x2048xbf16>
    %add3A_492 = arith.addf %add3A_489, %add3A_491 : vector<32x2048xbf16>
    %mul3A_493 = arith.mulf %add3A_492, %add3A_492 : vector<32x2048xbf16>
    %mul3A_494 = arith.constant 3.564450e-02 : bf16
    %mul3A_495 = vector.broadcast %mul3A_494 : bf16 to vector<32x2048xbf16>
    %mul3A_496 = arith.mulf %mul3A_493, %mul3A_495 : vector<32x2048xbf16>
    %add3A_497 = arith.constant 7.968750e-01 : bf16
    %add3A_498 = vector.broadcast %add3A_497 : bf16 to vector<32x2048xbf16>
    %add3A_499 = arith.addf %mul3A_496, %add3A_498 : vector<32x2048xbf16>
    %mul3A_500 = arith.mulf %add3A_492, %add3A_499 : vector<32x2048xbf16>
    %tanh3A_501 = math.tanh %mul3A_500 : vector<32x2048xbf16>
    %slice3A_502 = vector.extract_strided_slice %convert_element_type3A_33 {offsets = [18, 0], sizes = [1, 1], strides = [1, 1]} : vector<32x1xbf16> to vector<1x1xbf16>
    %mul3A_503 = vector.broadcast %slice3A_502 : vector<1x1xbf16> to vector<32x2048xbf16>
    %mul3A_504 = arith.mulf %add3A_492, %mul3A_503 : vector<32x2048xbf16>
    %add3A_505 = arith.addf %add3A_482, %mul3A_504 : vector<32x2048xbf16>
    %mul3A_506 = arith.mulf %mul3A_504, %tanh3A_501 : vector<32x2048xbf16>
    %add3A_507 = arith.addf %add3A_505, %mul3A_506 : vector<32x2048xbf16>
    %slice3A_508 = vector.extract_strided_slice %convert_element_type3A_29 {offsets = [19, 0], sizes = [1, 1], strides = [1, 1]} : vector<32x3xbf16> to vector<1x1xbf16>
    %slice3A_509 = vector.extract_strided_slice %convert_element_type3A_29 {offsets = [19, 1], sizes = [1, 1], strides = [1, 1]} : vector<32x3xbf16> to vector<1x1xbf16>
    %mul3A_510 = vector.broadcast %slice3A_508 : vector<1x1xbf16> to vector<32x2048xbf16>
    %mul3A_511 = arith.mulf %convert_element_type3A, %mul3A_510 : vector<32x2048xbf16>
    %mul3A_512 = vector.broadcast %slice3A_509 : vector<1x1xbf16> to vector<32x2048xbf16>
    %mul3A_513 = arith.mulf %convert_element_type3A_21, %mul3A_512 : vector<32x2048xbf16>
    %add3A_514 = arith.addf %mul3A_511, %mul3A_513 : vector<32x2048xbf16>
    %slice3A_515 = vector.extract_strided_slice %convert_element_type3A_25 {offsets = [19, 0], sizes = [1, 2048], strides = [1, 1]} : vector<32x2048xbf16> to vector<1x2048xbf16>
    %add3A_516 = vector.broadcast %slice3A_515 : vector<1x2048xbf16> to vector<32x2048xbf16>
    %add3A_517 = arith.addf %add3A_514, %add3A_516 : vector<32x2048xbf16>
    %mul3A_518 = arith.mulf %add3A_517, %add3A_517 : vector<32x2048xbf16>
    %mul3A_519 = arith.constant 3.564450e-02 : bf16
    %mul3A_520 = vector.broadcast %mul3A_519 : bf16 to vector<32x2048xbf16>
    %mul3A_521 = arith.mulf %mul3A_518, %mul3A_520 : vector<32x2048xbf16>
    %add3A_522 = arith.constant 7.968750e-01 : bf16
    %add3A_523 = vector.broadcast %add3A_522 : bf16 to vector<32x2048xbf16>
    %add3A_524 = arith.addf %mul3A_521, %add3A_523 : vector<32x2048xbf16>
    %mul3A_525 = arith.mulf %add3A_517, %add3A_524 : vector<32x2048xbf16>
    %tanh3A_526 = math.tanh %mul3A_525 : vector<32x2048xbf16>
    %slice3A_527 = vector.extract_strided_slice %convert_element_type3A_33 {offsets = [19, 0], sizes = [1, 1], strides = [1, 1]} : vector<32x1xbf16> to vector<1x1xbf16>
    %mul3A_528 = vector.broadcast %slice3A_527 : vector<1x1xbf16> to vector<32x2048xbf16>
    %mul3A_529 = arith.mulf %add3A_517, %mul3A_528 : vector<32x2048xbf16>
    %add3A_530 = arith.addf %add3A_507, %mul3A_529 : vector<32x2048xbf16>
    %mul3A_531 = arith.mulf %mul3A_529, %tanh3A_526 : vector<32x2048xbf16>
    %add3A_532 = arith.addf %add3A_530, %mul3A_531 : vector<32x2048xbf16>
    %slice3A_533 = vector.extract_strided_slice %convert_element_type3A_29 {offsets = [20, 0], sizes = [1, 1], strides = [1, 1]} : vector<32x3xbf16> to vector<1x1xbf16>
    %slice3A_534 = vector.extract_strided_slice %convert_element_type3A_29 {offsets = [20, 1], sizes = [1, 1], strides = [1, 1]} : vector<32x3xbf16> to vector<1x1xbf16>
    %mul3A_535 = vector.broadcast %slice3A_533 : vector<1x1xbf16> to vector<32x2048xbf16>
    %mul3A_536 = arith.mulf %convert_element_type3A, %mul3A_535 : vector<32x2048xbf16>
    %mul3A_537 = vector.broadcast %slice3A_534 : vector<1x1xbf16> to vector<32x2048xbf16>
    %mul3A_538 = arith.mulf %convert_element_type3A_21, %mul3A_537 : vector<32x2048xbf16>
    %add3A_539 = arith.addf %mul3A_536, %mul3A_538 : vector<32x2048xbf16>
    %slice3A_540 = vector.extract_strided_slice %convert_element_type3A_25 {offsets = [20, 0], sizes = [1, 2048], strides = [1, 1]} : vector<32x2048xbf16> to vector<1x2048xbf16>
    %add3A_541 = vector.broadcast %slice3A_540 : vector<1x2048xbf16> to vector<32x2048xbf16>
    %add3A_542 = arith.addf %add3A_539, %add3A_541 : vector<32x2048xbf16>
    %mul3A_543 = arith.mulf %add3A_542, %add3A_542 : vector<32x2048xbf16>
    %mul3A_544 = arith.constant 3.564450e-02 : bf16
    %mul3A_545 = vector.broadcast %mul3A_544 : bf16 to vector<32x2048xbf16>
    %mul3A_546 = arith.mulf %mul3A_543, %mul3A_545 : vector<32x2048xbf16>
    %add3A_547 = arith.constant 7.968750e-01 : bf16
    %add3A_548 = vector.broadcast %add3A_547 : bf16 to vector<32x2048xbf16>
    %add3A_549 = arith.addf %mul3A_546, %add3A_548 : vector<32x2048xbf16>
    %mul3A_550 = arith.mulf %add3A_542, %add3A_549 : vector<32x2048xbf16>
    %tanh3A_551 = math.tanh %mul3A_550 : vector<32x2048xbf16>
    %slice3A_552 = vector.extract_strided_slice %convert_element_type3A_33 {offsets = [20, 0], sizes = [1, 1], strides = [1, 1]} : vector<32x1xbf16> to vector<1x1xbf16>
    %mul3A_553 = vector.broadcast %slice3A_552 : vector<1x1xbf16> to vector<32x2048xbf16>
    %mul3A_554 = arith.mulf %add3A_542, %mul3A_553 : vector<32x2048xbf16>
    %add3A_555 = arith.addf %add3A_532, %mul3A_554 : vector<32x2048xbf16>
    %mul3A_556 = arith.mulf %mul3A_554, %tanh3A_551 : vector<32x2048xbf16>
    %add3A_557 = arith.addf %add3A_555, %mul3A_556 : vector<32x2048xbf16>
    %slice3A_558 = vector.extract_strided_slice %convert_element_type3A_29 {offsets = [21, 0], sizes = [1, 1], strides = [1, 1]} : vector<32x3xbf16> to vector<1x1xbf16>
    %slice3A_559 = vector.extract_strided_slice %convert_element_type3A_29 {offsets = [21, 1], sizes = [1, 1], strides = [1, 1]} : vector<32x3xbf16> to vector<1x1xbf16>
    %mul3A_560 = vector.broadcast %slice3A_558 : vector<1x1xbf16> to vector<32x2048xbf16>
    %mul3A_561 = arith.mulf %convert_element_type3A, %mul3A_560 : vector<32x2048xbf16>
    %mul3A_562 = vector.broadcast %slice3A_559 : vector<1x1xbf16> to vector<32x2048xbf16>
    %mul3A_563 = arith.mulf %convert_element_type3A_21, %mul3A_562 : vector<32x2048xbf16>
    %add3A_564 = arith.addf %mul3A_561, %mul3A_563 : vector<32x2048xbf16>
    %slice3A_565 = vector.extract_strided_slice %convert_element_type3A_25 {offsets = [21, 0], sizes = [1, 2048], strides = [1, 1]} : vector<32x2048xbf16> to vector<1x2048xbf16>
    %add3A_566 = vector.broadcast %slice3A_565 : vector<1x2048xbf16> to vector<32x2048xbf16>
    %add3A_567 = arith.addf %add3A_564, %add3A_566 : vector<32x2048xbf16>
    %mul3A_568 = arith.mulf %add3A_567, %add3A_567 : vector<32x2048xbf16>
    %mul3A_569 = arith.constant 3.564450e-02 : bf16
    %mul3A_570 = vector.broadcast %mul3A_569 : bf16 to vector<32x2048xbf16>
    %mul3A_571 = arith.mulf %mul3A_568, %mul3A_570 : vector<32x2048xbf16>
    %add3A_572 = arith.constant 7.968750e-01 : bf16
    %add3A_573 = vector.broadcast %add3A_572 : bf16 to vector<32x2048xbf16>
    %add3A_574 = arith.addf %mul3A_571, %add3A_573 : vector<32x2048xbf16>
    %mul3A_575 = arith.mulf %add3A_567, %add3A_574 : vector<32x2048xbf16>
    %tanh3A_576 = math.tanh %mul3A_575 : vector<32x2048xbf16>
    %slice3A_577 = vector.extract_strided_slice %convert_element_type3A_33 {offsets = [21, 0], sizes = [1, 1], strides = [1, 1]} : vector<32x1xbf16> to vector<1x1xbf16>
    %mul3A_578 = vector.broadcast %slice3A_577 : vector<1x1xbf16> to vector<32x2048xbf16>
    %mul3A_579 = arith.mulf %add3A_567, %mul3A_578 : vector<32x2048xbf16>
    %add3A_580 = arith.addf %add3A_557, %mul3A_579 : vector<32x2048xbf16>
    %mul3A_581 = arith.mulf %mul3A_579, %tanh3A_576 : vector<32x2048xbf16>
    %add3A_582 = arith.addf %add3A_580, %mul3A_581 : vector<32x2048xbf16>
    %slice3A_583 = vector.extract_strided_slice %convert_element_type3A_29 {offsets = [22, 0], sizes = [1, 1], strides = [1, 1]} : vector<32x3xbf16> to vector<1x1xbf16>
    %slice3A_584 = vector.extract_strided_slice %convert_element_type3A_29 {offsets = [22, 1], sizes = [1, 1], strides = [1, 1]} : vector<32x3xbf16> to vector<1x1xbf16>
    %mul3A_585 = vector.broadcast %slice3A_583 : vector<1x1xbf16> to vector<32x2048xbf16>
    %mul3A_586 = arith.mulf %convert_element_type3A, %mul3A_585 : vector<32x2048xbf16>
    %mul3A_587 = vector.broadcast %slice3A_584 : vector<1x1xbf16> to vector<32x2048xbf16>
    %mul3A_588 = arith.mulf %convert_element_type3A_21, %mul3A_587 : vector<32x2048xbf16>
    %add3A_589 = arith.addf %mul3A_586, %mul3A_588 : vector<32x2048xbf16>
    %slice3A_590 = vector.extract_strided_slice %convert_element_type3A_25 {offsets = [22, 0], sizes = [1, 2048], strides = [1, 1]} : vector<32x2048xbf16> to vector<1x2048xbf16>
    %add3A_591 = vector.broadcast %slice3A_590 : vector<1x2048xbf16> to vector<32x2048xbf16>
    %add3A_592 = arith.addf %add3A_589, %add3A_591 : vector<32x2048xbf16>
    %mul3A_593 = arith.mulf %add3A_592, %add3A_592 : vector<32x2048xbf16>
    %mul3A_594 = arith.constant 3.564450e-02 : bf16
    %mul3A_595 = vector.broadcast %mul3A_594 : bf16 to vector<32x2048xbf16>
    %mul3A_596 = arith.mulf %mul3A_593, %mul3A_595 : vector<32x2048xbf16>
    %add3A_597 = arith.constant 7.968750e-01 : bf16
    %add3A_598 = vector.broadcast %add3A_597 : bf16 to vector<32x2048xbf16>
    %add3A_599 = arith.addf %mul3A_596, %add3A_598 : vector<32x2048xbf16>
    %mul3A_600 = arith.mulf %add3A_592, %add3A_599 : vector<32x2048xbf16>
    %tanh3A_601 = math.tanh %mul3A_600 : vector<32x2048xbf16>
    %slice3A_602 = vector.extract_strided_slice %convert_element_type3A_33 {offsets = [22, 0], sizes = [1, 1], strides = [1, 1]} : vector<32x1xbf16> to vector<1x1xbf16>
    %mul3A_603 = vector.broadcast %slice3A_602 : vector<1x1xbf16> to vector<32x2048xbf16>
    %mul3A_604 = arith.mulf %add3A_592, %mul3A_603 : vector<32x2048xbf16>
    %add3A_605 = arith.addf %add3A_582, %mul3A_604 : vector<32x2048xbf16>
    %mul3A_606 = arith.mulf %mul3A_604, %tanh3A_601 : vector<32x2048xbf16>
    %add3A_607 = arith.addf %add3A_605, %mul3A_606 : vector<32x2048xbf16>
    %slice3A_608 = vector.extract_strided_slice %convert_element_type3A_29 {offsets = [23, 0], sizes = [1, 1], strides = [1, 1]} : vector<32x3xbf16> to vector<1x1xbf16>
    %slice3A_609 = vector.extract_strided_slice %convert_element_type3A_29 {offsets = [23, 1], sizes = [1, 1], strides = [1, 1]} : vector<32x3xbf16> to vector<1x1xbf16>
    %mul3A_610 = vector.broadcast %slice3A_608 : vector<1x1xbf16> to vector<32x2048xbf16>
    %mul3A_611 = arith.mulf %convert_element_type3A, %mul3A_610 : vector<32x2048xbf16>
    %mul3A_612 = vector.broadcast %slice3A_609 : vector<1x1xbf16> to vector<32x2048xbf16>
    %mul3A_613 = arith.mulf %convert_element_type3A_21, %mul3A_612 : vector<32x2048xbf16>
    %add3A_614 = arith.addf %mul3A_611, %mul3A_613 : vector<32x2048xbf16>
    %slice3A_615 = vector.extract_strided_slice %convert_element_type3A_25 {offsets = [23, 0], sizes = [1, 2048], strides = [1, 1]} : vector<32x2048xbf16> to vector<1x2048xbf16>
    %add3A_616 = vector.broadcast %slice3A_615 : vector<1x2048xbf16> to vector<32x2048xbf16>
    %add3A_617 = arith.addf %add3A_614, %add3A_616 : vector<32x2048xbf16>
    %mul3A_618 = arith.mulf %add3A_617, %add3A_617 : vector<32x2048xbf16>
    %mul3A_619 = arith.constant 3.564450e-02 : bf16
    %mul3A_620 = vector.broadcast %mul3A_619 : bf16 to vector<32x2048xbf16>
    %mul3A_621 = arith.mulf %mul3A_618, %mul3A_620 : vector<32x2048xbf16>
    %add3A_622 = arith.constant 7.968750e-01 : bf16
    %add3A_623 = vector.broadcast %add3A_622 : bf16 to vector<32x2048xbf16>
    %add3A_624 = arith.addf %mul3A_621, %add3A_623 : vector<32x2048xbf16>
    %mul3A_625 = arith.mulf %add3A_617, %add3A_624 : vector<32x2048xbf16>
    %tanh3A_626 = math.tanh %mul3A_625 : vector<32x2048xbf16>
    %slice3A_627 = vector.extract_strided_slice %convert_element_type3A_33 {offsets = [23, 0], sizes = [1, 1], strides = [1, 1]} : vector<32x1xbf16> to vector<1x1xbf16>
    %mul3A_628 = vector.broadcast %slice3A_627 : vector<1x1xbf16> to vector<32x2048xbf16>
    %mul3A_629 = arith.mulf %add3A_617, %mul3A_628 : vector<32x2048xbf16>
    %add3A_630 = arith.addf %add3A_607, %mul3A_629 : vector<32x2048xbf16>
    %mul3A_631 = arith.mulf %mul3A_629, %tanh3A_626 : vector<32x2048xbf16>
    %add3A_632 = arith.addf %add3A_630, %mul3A_631 : vector<32x2048xbf16>
    %slice3A_633 = vector.extract_strided_slice %convert_element_type3A_29 {offsets = [24, 0], sizes = [1, 1], strides = [1, 1]} : vector<32x3xbf16> to vector<1x1xbf16>
    %slice3A_634 = vector.extract_strided_slice %convert_element_type3A_29 {offsets = [24, 1], sizes = [1, 1], strides = [1, 1]} : vector<32x3xbf16> to vector<1x1xbf16>
    %mul3A_635 = vector.broadcast %slice3A_633 : vector<1x1xbf16> to vector<32x2048xbf16>
    %mul3A_636 = arith.mulf %convert_element_type3A, %mul3A_635 : vector<32x2048xbf16>
    %mul3A_637 = vector.broadcast %slice3A_634 : vector<1x1xbf16> to vector<32x2048xbf16>
    %mul3A_638 = arith.mulf %convert_element_type3A_21, %mul3A_637 : vector<32x2048xbf16>
    %add3A_639 = arith.addf %mul3A_636, %mul3A_638 : vector<32x2048xbf16>
    %slice3A_640 = vector.extract_strided_slice %convert_element_type3A_25 {offsets = [24, 0], sizes = [1, 2048], strides = [1, 1]} : vector<32x2048xbf16> to vector<1x2048xbf16>
    %add3A_641 = vector.broadcast %slice3A_640 : vector<1x2048xbf16> to vector<32x2048xbf16>
    %add3A_642 = arith.addf %add3A_639, %add3A_641 : vector<32x2048xbf16>
    %mul3A_643 = arith.mulf %add3A_642, %add3A_642 : vector<32x2048xbf16>
    %mul3A_644 = arith.constant 3.564450e-02 : bf16
    %mul3A_645 = vector.broadcast %mul3A_644 : bf16 to vector<32x2048xbf16>
    %mul3A_646 = arith.mulf %mul3A_643, %mul3A_645 : vector<32x2048xbf16>
    %add3A_647 = arith.constant 7.968750e-01 : bf16
    %add3A_648 = vector.broadcast %add3A_647 : bf16 to vector<32x2048xbf16>
    %add3A_649 = arith.addf %mul3A_646, %add3A_648 : vector<32x2048xbf16>
    %mul3A_650 = arith.mulf %add3A_642, %add3A_649 : vector<32x2048xbf16>
    %tanh3A_651 = math.tanh %mul3A_650 : vector<32x2048xbf16>
    %slice3A_652 = vector.extract_strided_slice %convert_element_type3A_33 {offsets = [24, 0], sizes = [1, 1], strides = [1, 1]} : vector<32x1xbf16> to vector<1x1xbf16>
    %mul3A_653 = vector.broadcast %slice3A_652 : vector<1x1xbf16> to vector<32x2048xbf16>
    %mul3A_654 = arith.mulf %add3A_642, %mul3A_653 : vector<32x2048xbf16>
    %add3A_655 = arith.addf %add3A_632, %mul3A_654 : vector<32x2048xbf16>
    %mul3A_656 = arith.mulf %mul3A_654, %tanh3A_651 : vector<32x2048xbf16>
    %add3A_657 = arith.addf %add3A_655, %mul3A_656 : vector<32x2048xbf16>
    %slice3A_658 = vector.extract_strided_slice %convert_element_type3A_29 {offsets = [25, 0], sizes = [1, 1], strides = [1, 1]} : vector<32x3xbf16> to vector<1x1xbf16>
    %slice3A_659 = vector.extract_strided_slice %convert_element_type3A_29 {offsets = [25, 1], sizes = [1, 1], strides = [1, 1]} : vector<32x3xbf16> to vector<1x1xbf16>
    %mul3A_660 = vector.broadcast %slice3A_658 : vector<1x1xbf16> to vector<32x2048xbf16>
    %mul3A_661 = arith.mulf %convert_element_type3A, %mul3A_660 : vector<32x2048xbf16>
    %mul3A_662 = vector.broadcast %slice3A_659 : vector<1x1xbf16> to vector<32x2048xbf16>
    %mul3A_663 = arith.mulf %convert_element_type3A_21, %mul3A_662 : vector<32x2048xbf16>
    %add3A_664 = arith.addf %mul3A_661, %mul3A_663 : vector<32x2048xbf16>
    %slice3A_665 = vector.extract_strided_slice %convert_element_type3A_25 {offsets = [25, 0], sizes = [1, 2048], strides = [1, 1]} : vector<32x2048xbf16> to vector<1x2048xbf16>
    %add3A_666 = vector.broadcast %slice3A_665 : vector<1x2048xbf16> to vector<32x2048xbf16>
    %add3A_667 = arith.addf %add3A_664, %add3A_666 : vector<32x2048xbf16>
    %mul3A_668 = arith.mulf %add3A_667, %add3A_667 : vector<32x2048xbf16>
    %mul3A_669 = arith.constant 3.564450e-02 : bf16
    %mul3A_670 = vector.broadcast %mul3A_669 : bf16 to vector<32x2048xbf16>
    %mul3A_671 = arith.mulf %mul3A_668, %mul3A_670 : vector<32x2048xbf16>
    %add3A_672 = arith.constant 7.968750e-01 : bf16
    %add3A_673 = vector.broadcast %add3A_672 : bf16 to vector<32x2048xbf16>
    %add3A_674 = arith.addf %mul3A_671, %add3A_673 : vector<32x2048xbf16>
    %mul3A_675 = arith.mulf %add3A_667, %add3A_674 : vector<32x2048xbf16>
    %tanh3A_676 = math.tanh %mul3A_675 : vector<32x2048xbf16>
    %slice3A_677 = vector.extract_strided_slice %convert_element_type3A_33 {offsets = [25, 0], sizes = [1, 1], strides = [1, 1]} : vector<32x1xbf16> to vector<1x1xbf16>
    %mul3A_678 = vector.broadcast %slice3A_677 : vector<1x1xbf16> to vector<32x2048xbf16>
    %mul3A_679 = arith.mulf %add3A_667, %mul3A_678 : vector<32x2048xbf16>
    %add3A_680 = arith.addf %add3A_657, %mul3A_679 : vector<32x2048xbf16>
    %mul3A_681 = arith.mulf %mul3A_679, %tanh3A_676 : vector<32x2048xbf16>
    %add3A_682 = arith.addf %add3A_680, %mul3A_681 : vector<32x2048xbf16>
    %slice3A_683 = vector.extract_strided_slice %convert_element_type3A_29 {offsets = [26, 0], sizes = [1, 1], strides = [1, 1]} : vector<32x3xbf16> to vector<1x1xbf16>
    %slice3A_684 = vector.extract_strided_slice %convert_element_type3A_29 {offsets = [26, 1], sizes = [1, 1], strides = [1, 1]} : vector<32x3xbf16> to vector<1x1xbf16>
    %mul3A_685 = vector.broadcast %slice3A_683 : vector<1x1xbf16> to vector<32x2048xbf16>
    %mul3A_686 = arith.mulf %convert_element_type3A, %mul3A_685 : vector<32x2048xbf16>
    %mul3A_687 = vector.broadcast %slice3A_684 : vector<1x1xbf16> to vector<32x2048xbf16>
    %mul3A_688 = arith.mulf %convert_element_type3A_21, %mul3A_687 : vector<32x2048xbf16>
    %add3A_689 = arith.addf %mul3A_686, %mul3A_688 : vector<32x2048xbf16>
    %slice3A_690 = vector.extract_strided_slice %convert_element_type3A_25 {offsets = [26, 0], sizes = [1, 2048], strides = [1, 1]} : vector<32x2048xbf16> to vector<1x2048xbf16>
    %add3A_691 = vector.broadcast %slice3A_690 : vector<1x2048xbf16> to vector<32x2048xbf16>
    %add3A_692 = arith.addf %add3A_689, %add3A_691 : vector<32x2048xbf16>
    %mul3A_693 = arith.mulf %add3A_692, %add3A_692 : vector<32x2048xbf16>
    %mul3A_694 = arith.constant 3.564450e-02 : bf16
    %mul3A_695 = vector.broadcast %mul3A_694 : bf16 to vector<32x2048xbf16>
    %mul3A_696 = arith.mulf %mul3A_693, %mul3A_695 : vector<32x2048xbf16>
    %add3A_697 = arith.constant 7.968750e-01 : bf16
    %add3A_698 = vector.broadcast %add3A_697 : bf16 to vector<32x2048xbf16>
    %add3A_699 = arith.addf %mul3A_696, %add3A_698 : vector<32x2048xbf16>
    %mul3A_700 = arith.mulf %add3A_692, %add3A_699 : vector<32x2048xbf16>
    %tanh3A_701 = math.tanh %mul3A_700 : vector<32x2048xbf16>
    %slice3A_702 = vector.extract_strided_slice %convert_element_type3A_33 {offsets = [26, 0], sizes = [1, 1], strides = [1, 1]} : vector<32x1xbf16> to vector<1x1xbf16>
    %mul3A_703 = vector.broadcast %slice3A_702 : vector<1x1xbf16> to vector<32x2048xbf16>
    %mul3A_704 = arith.mulf %add3A_692, %mul3A_703 : vector<32x2048xbf16>
    %add3A_705 = arith.addf %add3A_682, %mul3A_704 : vector<32x2048xbf16>
    %mul3A_706 = arith.mulf %mul3A_704, %tanh3A_701 : vector<32x2048xbf16>
    %add3A_707 = arith.addf %add3A_705, %mul3A_706 : vector<32x2048xbf16>
    %slice3A_708 = vector.extract_strided_slice %convert_element_type3A_29 {offsets = [27, 0], sizes = [1, 1], strides = [1, 1]} : vector<32x3xbf16> to vector<1x1xbf16>
    %slice3A_709 = vector.extract_strided_slice %convert_element_type3A_29 {offsets = [27, 1], sizes = [1, 1], strides = [1, 1]} : vector<32x3xbf16> to vector<1x1xbf16>
    %mul3A_710 = vector.broadcast %slice3A_708 : vector<1x1xbf16> to vector<32x2048xbf16>
    %mul3A_711 = arith.mulf %convert_element_type3A, %mul3A_710 : vector<32x2048xbf16>
    %mul3A_712 = vector.broadcast %slice3A_709 : vector<1x1xbf16> to vector<32x2048xbf16>
    %mul3A_713 = arith.mulf %convert_element_type3A_21, %mul3A_712 : vector<32x2048xbf16>
    %add3A_714 = arith.addf %mul3A_711, %mul3A_713 : vector<32x2048xbf16>
    %slice3A_715 = vector.extract_strided_slice %convert_element_type3A_25 {offsets = [27, 0], sizes = [1, 2048], strides = [1, 1]} : vector<32x2048xbf16> to vector<1x2048xbf16>
    %add3A_716 = vector.broadcast %slice3A_715 : vector<1x2048xbf16> to vector<32x2048xbf16>
    %add3A_717 = arith.addf %add3A_714, %add3A_716 : vector<32x2048xbf16>
    %mul3A_718 = arith.mulf %add3A_717, %add3A_717 : vector<32x2048xbf16>
    %mul3A_719 = arith.constant 3.564450e-02 : bf16
    %mul3A_720 = vector.broadcast %mul3A_719 : bf16 to vector<32x2048xbf16>
    %mul3A_721 = arith.mulf %mul3A_718, %mul3A_720 : vector<32x2048xbf16>
    %add3A_722 = arith.constant 7.968750e-01 : bf16
    %add3A_723 = vector.broadcast %add3A_722 : bf16 to vector<32x2048xbf16>
    %add3A_724 = arith.addf %mul3A_721, %add3A_723 : vector<32x2048xbf16>
    %mul3A_725 = arith.mulf %add3A_717, %add3A_724 : vector<32x2048xbf16>
    %tanh3A_726 = math.tanh %mul3A_725 : vector<32x2048xbf16>
    %slice3A_727 = vector.extract_strided_slice %convert_element_type3A_33 {offsets = [27, 0], sizes = [1, 1], strides = [1, 1]} : vector<32x1xbf16> to vector<1x1xbf16>
    %mul3A_728 = vector.broadcast %slice3A_727 : vector<1x1xbf16> to vector<32x2048xbf16>
    %mul3A_729 = arith.mulf %add3A_717, %mul3A_728 : vector<32x2048xbf16>
    %add3A_730 = arith.addf %add3A_707, %mul3A_729 : vector<32x2048xbf16>
    %mul3A_731 = arith.mulf %mul3A_729, %tanh3A_726 : vector<32x2048xbf16>
    %add3A_732 = arith.addf %add3A_730, %mul3A_731 : vector<32x2048xbf16>
    %slice3A_733 = vector.extract_strided_slice %convert_element_type3A_29 {offsets = [28, 0], sizes = [1, 1], strides = [1, 1]} : vector<32x3xbf16> to vector<1x1xbf16>
    %slice3A_734 = vector.extract_strided_slice %convert_element_type3A_29 {offsets = [28, 1], sizes = [1, 1], strides = [1, 1]} : vector<32x3xbf16> to vector<1x1xbf16>
    %mul3A_735 = vector.broadcast %slice3A_733 : vector<1x1xbf16> to vector<32x2048xbf16>
    %mul3A_736 = arith.mulf %convert_element_type3A, %mul3A_735 : vector<32x2048xbf16>
    %mul3A_737 = vector.broadcast %slice3A_734 : vector<1x1xbf16> to vector<32x2048xbf16>
    %mul3A_738 = arith.mulf %convert_element_type3A_21, %mul3A_737 : vector<32x2048xbf16>
    %add3A_739 = arith.addf %mul3A_736, %mul3A_738 : vector<32x2048xbf16>
    %slice3A_740 = vector.extract_strided_slice %convert_element_type3A_25 {offsets = [28, 0], sizes = [1, 2048], strides = [1, 1]} : vector<32x2048xbf16> to vector<1x2048xbf16>
    %add3A_741 = vector.broadcast %slice3A_740 : vector<1x2048xbf16> to vector<32x2048xbf16>
    %add3A_742 = arith.addf %add3A_739, %add3A_741 : vector<32x2048xbf16>
    %mul3A_743 = arith.mulf %add3A_742, %add3A_742 : vector<32x2048xbf16>
    %mul3A_744 = arith.constant 3.564450e-02 : bf16
    %mul3A_745 = vector.broadcast %mul3A_744 : bf16 to vector<32x2048xbf16>
    %mul3A_746 = arith.mulf %mul3A_743, %mul3A_745 : vector<32x2048xbf16>
    %add3A_747 = arith.constant 7.968750e-01 : bf16
    %add3A_748 = vector.broadcast %add3A_747 : bf16 to vector<32x2048xbf16>
    %add3A_749 = arith.addf %mul3A_746, %add3A_748 : vector<32x2048xbf16>
    %mul3A_750 = arith.mulf %add3A_742, %add3A_749 : vector<32x2048xbf16>
    %tanh3A_751 = math.tanh %mul3A_750 : vector<32x2048xbf16>
    %slice3A_752 = vector.extract_strided_slice %convert_element_type3A_33 {offsets = [28, 0], sizes = [1, 1], strides = [1, 1]} : vector<32x1xbf16> to vector<1x1xbf16>
    %mul3A_753 = vector.broadcast %slice3A_752 : vector<1x1xbf16> to vector<32x2048xbf16>
    %mul3A_754 = arith.mulf %add3A_742, %mul3A_753 : vector<32x2048xbf16>
    %add3A_755 = arith.addf %add3A_732, %mul3A_754 : vector<32x2048xbf16>
    %mul3A_756 = arith.mulf %mul3A_754, %tanh3A_751 : vector<32x2048xbf16>
    %add3A_757 = arith.addf %add3A_755, %mul3A_756 : vector<32x2048xbf16>
    %slice3A_758 = vector.extract_strided_slice %convert_element_type3A_29 {offsets = [29, 0], sizes = [1, 1], strides = [1, 1]} : vector<32x3xbf16> to vector<1x1xbf16>
    %slice3A_759 = vector.extract_strided_slice %convert_element_type3A_29 {offsets = [29, 1], sizes = [1, 1], strides = [1, 1]} : vector<32x3xbf16> to vector<1x1xbf16>
    %mul3A_760 = vector.broadcast %slice3A_758 : vector<1x1xbf16> to vector<32x2048xbf16>
    %mul3A_761 = arith.mulf %convert_element_type3A, %mul3A_760 : vector<32x2048xbf16>
    %mul3A_762 = vector.broadcast %slice3A_759 : vector<1x1xbf16> to vector<32x2048xbf16>
    %mul3A_763 = arith.mulf %convert_element_type3A_21, %mul3A_762 : vector<32x2048xbf16>
    %add3A_764 = arith.addf %mul3A_761, %mul3A_763 : vector<32x2048xbf16>
    %slice3A_765 = vector.extract_strided_slice %convert_element_type3A_25 {offsets = [29, 0], sizes = [1, 2048], strides = [1, 1]} : vector<32x2048xbf16> to vector<1x2048xbf16>
    %add3A_766 = vector.broadcast %slice3A_765 : vector<1x2048xbf16> to vector<32x2048xbf16>
    %add3A_767 = arith.addf %add3A_764, %add3A_766 : vector<32x2048xbf16>
    %mul3A_768 = arith.mulf %add3A_767, %add3A_767 : vector<32x2048xbf16>
    %mul3A_769 = arith.constant 3.564450e-02 : bf16
    %mul3A_770 = vector.broadcast %mul3A_769 : bf16 to vector<32x2048xbf16>
    %mul3A_771 = arith.mulf %mul3A_768, %mul3A_770 : vector<32x2048xbf16>
    %add3A_772 = arith.constant 7.968750e-01 : bf16
    %add3A_773 = vector.broadcast %add3A_772 : bf16 to vector<32x2048xbf16>
    %add3A_774 = arith.addf %mul3A_771, %add3A_773 : vector<32x2048xbf16>
    %mul3A_775 = arith.mulf %add3A_767, %add3A_774 : vector<32x2048xbf16>
    %tanh3A_776 = math.tanh %mul3A_775 : vector<32x2048xbf16>
    %slice3A_777 = vector.extract_strided_slice %convert_element_type3A_33 {offsets = [29, 0], sizes = [1, 1], strides = [1, 1]} : vector<32x1xbf16> to vector<1x1xbf16>
    %mul3A_778 = vector.broadcast %slice3A_777 : vector<1x1xbf16> to vector<32x2048xbf16>
    %mul3A_779 = arith.mulf %add3A_767, %mul3A_778 : vector<32x2048xbf16>
    %add3A_780 = arith.addf %add3A_757, %mul3A_779 : vector<32x2048xbf16>
    %mul3A_781 = arith.mulf %mul3A_779, %tanh3A_776 : vector<32x2048xbf16>
    %add3A_782 = arith.addf %add3A_780, %mul3A_781 : vector<32x2048xbf16>
    %slice3A_783 = vector.extract_strided_slice %convert_element_type3A_29 {offsets = [30, 0], sizes = [1, 1], strides = [1, 1]} : vector<32x3xbf16> to vector<1x1xbf16>
    %slice3A_784 = vector.extract_strided_slice %convert_element_type3A_29 {offsets = [30, 1], sizes = [1, 1], strides = [1, 1]} : vector<32x3xbf16> to vector<1x1xbf16>
    %mul3A_785 = vector.broadcast %slice3A_783 : vector<1x1xbf16> to vector<32x2048xbf16>
    %mul3A_786 = arith.mulf %convert_element_type3A, %mul3A_785 : vector<32x2048xbf16>
    %mul3A_787 = vector.broadcast %slice3A_784 : vector<1x1xbf16> to vector<32x2048xbf16>
    %mul3A_788 = arith.mulf %convert_element_type3A_21, %mul3A_787 : vector<32x2048xbf16>
    %add3A_789 = arith.addf %mul3A_786, %mul3A_788 : vector<32x2048xbf16>
    %slice3A_790 = vector.extract_strided_slice %convert_element_type3A_25 {offsets = [30, 0], sizes = [1, 2048], strides = [1, 1]} : vector<32x2048xbf16> to vector<1x2048xbf16>
    %add3A_791 = vector.broadcast %slice3A_790 : vector<1x2048xbf16> to vector<32x2048xbf16>
    %add3A_792 = arith.addf %add3A_789, %add3A_791 : vector<32x2048xbf16>
    %mul3A_793 = arith.mulf %add3A_792, %add3A_792 : vector<32x2048xbf16>
    %mul3A_794 = arith.constant 3.564450e-02 : bf16
    %mul3A_795 = vector.broadcast %mul3A_794 : bf16 to vector<32x2048xbf16>
    %mul3A_796 = arith.mulf %mul3A_793, %mul3A_795 : vector<32x2048xbf16>
    %add3A_797 = arith.constant 7.968750e-01 : bf16
    %add3A_798 = vector.broadcast %add3A_797 : bf16 to vector<32x2048xbf16>
    %add3A_799 = arith.addf %mul3A_796, %add3A_798 : vector<32x2048xbf16>
    %mul3A_800 = arith.mulf %add3A_792, %add3A_799 : vector<32x2048xbf16>
    %tanh3A_801 = math.tanh %mul3A_800 : vector<32x2048xbf16>
    %slice3A_802 = vector.extract_strided_slice %convert_element_type3A_33 {offsets = [30, 0], sizes = [1, 1], strides = [1, 1]} : vector<32x1xbf16> to vector<1x1xbf16>
    %mul3A_803 = vector.broadcast %slice3A_802 : vector<1x1xbf16> to vector<32x2048xbf16>
    %mul3A_804 = arith.mulf %add3A_792, %mul3A_803 : vector<32x2048xbf16>
    %add3A_805 = arith.addf %add3A_782, %mul3A_804 : vector<32x2048xbf16>
    %mul3A_806 = arith.mulf %mul3A_804, %tanh3A_801 : vector<32x2048xbf16>
    %add3A_807 = arith.addf %add3A_805, %mul3A_806 : vector<32x2048xbf16>
    %slice3A_808 = vector.extract_strided_slice %convert_element_type3A_29 {offsets = [31, 0], sizes = [1, 1], strides = [1, 1]} : vector<32x3xbf16> to vector<1x1xbf16>
    %slice3A_809 = vector.extract_strided_slice %convert_element_type3A_29 {offsets = [31, 1], sizes = [1, 1], strides = [1, 1]} : vector<32x3xbf16> to vector<1x1xbf16>
    %mul3A_810 = vector.broadcast %slice3A_808 : vector<1x1xbf16> to vector<32x2048xbf16>
    %mul3A_811 = arith.mulf %convert_element_type3A, %mul3A_810 : vector<32x2048xbf16>
    %mul3A_812 = vector.broadcast %slice3A_809 : vector<1x1xbf16> to vector<32x2048xbf16>
    %mul3A_813 = arith.mulf %convert_element_type3A_21, %mul3A_812 : vector<32x2048xbf16>
    %add3A_814 = arith.addf %mul3A_811, %mul3A_813 : vector<32x2048xbf16>
    %slice3A_815 = vector.extract_strided_slice %convert_element_type3A_25 {offsets = [31, 0], sizes = [1, 2048], strides = [1, 1]} : vector<32x2048xbf16> to vector<1x2048xbf16>
    %add3A_816 = vector.broadcast %slice3A_815 : vector<1x2048xbf16> to vector<32x2048xbf16>
    %add3A_817 = arith.addf %add3A_814, %add3A_816 : vector<32x2048xbf16>
    %mul3A_818 = arith.mulf %add3A_817, %add3A_817 : vector<32x2048xbf16>
    %mul3A_819 = arith.constant 3.564450e-02 : bf16
    %mul3A_820 = vector.broadcast %mul3A_819 : bf16 to vector<32x2048xbf16>
    %mul3A_821 = arith.mulf %mul3A_818, %mul3A_820 : vector<32x2048xbf16>
    %add3A_822 = arith.constant 7.968750e-01 : bf16
    %add3A_823 = vector.broadcast %add3A_822 : bf16 to vector<32x2048xbf16>
    %add3A_824 = arith.addf %mul3A_821, %add3A_823 : vector<32x2048xbf16>
    %mul3A_825 = arith.mulf %add3A_817, %add3A_824 : vector<32x2048xbf16>
    %tanh3A_826 = math.tanh %mul3A_825 : vector<32x2048xbf16>
    %slice3A_827 = vector.extract_strided_slice %convert_element_type3A_33 {offsets = [31, 0], sizes = [1, 1], strides = [1, 1]} : vector<32x1xbf16> to vector<1x1xbf16>
    %mul3A_828 = vector.broadcast %slice3A_827 : vector<1x1xbf16> to vector<32x2048xbf16>
    %mul3A_829 = arith.mulf %add3A_817, %mul3A_828 : vector<32x2048xbf16>
    %add3A_830 = arith.addf %add3A_807, %mul3A_829 : vector<32x2048xbf16>
    %mul3A_831 = arith.mulf %mul3A_829, %tanh3A_826 : vector<32x2048xbf16>
    %add3A_832 = arith.addf %add3A_830, %mul3A_831 : vector<32x2048xbf16>
    %convert_element_type3A_833 = arith.extf %add3A_832 : vector<32x2048xbf16> to vector<32x2048xf32>
    %get3A_834 = arith.constant 0 : index
    %get3A_835 = arith.constant 0 : index
    %get3A_836 = vector.load %arg7[%get3A_834, %get3A_835] : memref<1x1xf32, #tpu.memory_space<vmem>>, vector<1x1xf32>
    %add3A_837 = vector.broadcast %get3A_836 : vector<1x1xf32> to vector<32x2048xf32>
    %add3A_838 = arith.addf %convert_element_type3A_833, %add3A_837 : vector<32x2048xf32>
    %iota3A = tpu.iota {dimensions = array<i32: 1>} : vector<1x2048xi32>
    %lt3A = arith.constant 1998 : i32
    %lt3A_839 = vector.broadcast %lt3A : i32 to vector<1x2048xi32>
    %lt3A_840 = arith.cmpi slt, %iota3A, %lt3A_839 : vector<1x2048xi32>
    %jit3A_841 = arith.constant 0xFF800000 : f32
    %broadcast_in_dim3A_842 = vector.shape_cast %lt3A_840 : vector<1x2048xi1> to vector<1x2048xi1>
    %broadcast_in_dim3A_843 = vector.broadcast %broadcast_in_dim3A_842 : vector<1x2048xi1> to vector<32x2048xi1>
    %broadcast_in_dim3A_844 = vector.broadcast %jit3A_841 : f32 to vector<32x2048xf32>
    %select_n3A_845 = arith.select %broadcast_in_dim3A_843, %add3A_838, %broadcast_in_dim3A_844 : vector<32x2048xi1>, vector<32x2048xf32>
    %reduce_max3A = arith.constant dense<0xFF800000> : vector<32xf32>
    %reduce_max3A_846 = vector.multi_reduction <maximumf>, %select_n3A_845, %reduce_max3A [1] : vector<32x2048xf32> to vector<32xf32>
    %broadcast_in_dim3A_847 = vector.shape_cast %reduce_max3A_846 : vector<32xf32> to vector<32x1xf32>
    %sub3A = vector.broadcast %broadcast_in_dim3A_847 : vector<32x1xf32> to vector<32x2048xf32>
    %sub3A_848 = arith.subf %add3A_838, %sub3A : vector<32x2048xf32>
    %exp3A = math.exp %sub3A_848 : vector<32x2048xf32>
    %jit3A_849 = arith.constant 0.000000e+00 : f32
    %broadcast_in_dim3A_850 = vector.shape_cast %lt3A_840 : vector<1x2048xi1> to vector<1x2048xi1>
    %broadcast_in_dim3A_851 = vector.broadcast %broadcast_in_dim3A_850 : vector<1x2048xi1> to vector<32x2048xi1>
    %broadcast_in_dim3A_852 = vector.broadcast %jit3A_849 : f32 to vector<32x2048xf32>
    %select_n3A_853 = arith.select %broadcast_in_dim3A_851, %exp3A, %broadcast_in_dim3A_852 : vector<32x2048xi1>, vector<32x2048xf32>
    %reduce_sum3A = arith.constant dense<0.000000e+00> : vector<32xf32>
    %reduce_sum3A_854 = vector.multi_reduction <add>, %select_n3A_853, %reduce_sum3A [1] : vector<32x2048xf32> to vector<32xf32>
    %broadcast_in_dim3A_855 = vector.shape_cast %reduce_sum3A_854 : vector<32xf32> to vector<32x1xf32>
    %get3A_856 = arith.constant 0 : index
    %get3A_857 = arith.constant 0 : index
    %get3A_858 = arith.constant 0 : index
    %get3A_859 = vector.load %arg8[%get3A_856, %get3A_857, %get3A_858] : memref<1x32x1xi32, #tpu.memory_space<vmem>>, vector<1x32x1xi32>
    %get3A_860 = vector.shape_cast %get3A_859 : vector<1x32x1xi32> to vector<32x1xi32>
    %eq3A_861 = vector.broadcast %iota3A : vector<1x2048xi32> to vector<32x2048xi32>
    %eq3A_862 = vector.broadcast %get3A_860 : vector<32x1xi32> to vector<32x2048xi32>
    %eq3A_863 = arith.cmpi eq, %eq3A_861, %eq3A_862 : vector<32x2048xi32>
    %jit3A_864 = arith.constant 0.000000e+00 : f32
    %broadcast_in_dim3A_865 = vector.broadcast %jit3A_864 : f32 to vector<32x2048xf32>
    %select_n3A_866 = arith.select %eq3A_863, %add3A_838, %broadcast_in_dim3A_865 : vector<32x2048xi1>, vector<32x2048xf32>
    %reduce_sum3A_867 = arith.constant dense<0.000000e+00> : vector<32xf32>
    %reduce_sum3A_868 = vector.multi_reduction <add>, %select_n3A_866, %reduce_sum3A_867 [1] : vector<32x2048xf32> to vector<32xf32>
    %broadcast_in_dim3A_869 = vector.shape_cast %reduce_sum3A_868 : vector<32xf32> to vector<32x1xf32>
    %log3A = math.log %broadcast_in_dim3A_855 : vector<32x1xf32>
    %add3A_870 = arith.addf %log3A, %broadcast_in_dim3A_847 : vector<32x1xf32>
    %sub3A_871 = arith.subf %add3A_870, %broadcast_in_dim3A_869 : vector<32x1xf32>
    %reshape3A = vector.shape_cast %sub3A_871 : vector<32x1xf32> to vector<1x32x1xf32>
    %swap3A = arith.constant 0 : index
    %swap3A_872 = arith.constant 0 : index
    %swap3A_873 = arith.constant 0 : index
    %swap3A_874 = vector.load %arg9[%swap3A, %swap3A_872, %swap3A_873] : memref<1x32x1xf32, #tpu.memory_space<vmem>>, vector<1x32x1xf32>
    tpu.vector_store %arg9[%swap3A, %swap3A_872, %swap3A_873], %reshape3A {strides = array<i32>} : memref<1x32x1xf32, #tpu.memory_space<vmem>>, vector<1x32x1xf32>,
    return
  }
  func.func @transform_0(%arg0: i32) -> (i32, i32) {
    %c0_i32 = arith.constant 0 : i32
    %c0_i32_0 = arith.constant 0 : i32
    return %arg0, %c0_i32 : i32, i32
  }
  func.func @transform_1(%arg0: i32) -> (i32, i32) {
    %c0_i32 = arith.constant 0 : i32
    %c0_i32_0 = arith.constant 0 : i32
    return %arg0, %c0_i32 : i32, i32
  }
  func.func @transform_2(%arg0: i32) -> (i32, i32) {
    %c0_i32 = arith.constant 0 : i32
    %c0_i32_0 = arith.constant 0 : i32
    %c0_i32_1 = arith.constant 0 : i32
    return %c0_i32, %c0_i32_0 : i32, i32
  }
  func.func @transform_3(%arg0: i32) -> (i32, i32) {
    %c0_i32 = arith.constant 0 : i32
    %c0_i32_0 = arith.constant 0 : i32
    %c0_i32_1 = arith.constant 0 : i32
    return %c0_i32, %c0_i32_0 : i32, i32
  }
  func.func @transform_4(%arg0: i32) -> (i32, i32) {
    %c0_i32 = arith.constant 0 : i32
    %c0_i32_0 = arith.constant 0 : i32
    %c0_i32_1 = arith.constant 0 : i32
    return %c0_i32, %c0_i32_0 : i32, i32
  }
  func.func @transform_5(%arg0: i32) -> (i32, i32) {
    %c0_i32 = arith.constant 0 : i32
    %c0_i32_0 = arith.constant 0 : i32
    %c0_i32_1 = arith.constant 0 : i32
    return %c0_i32, %c0_i32_0 : i32, i32
  }
  func.func @transform_6(%arg0: i32) -> (i32, i32) {
    %c0_i32 = arith.constant 0 : i32
    %c0_i32_0 = arith.constant 0 : i32
    %c0_i32_1 = arith.constant 0 : i32
    return %c0_i32, %c0_i32_0 : i32, i32
  }
  func.func @transform_7(%arg0: i32) -> (i32, i32, i32) {
    %c0_i32 = arith.constant 0 : i32
    %c0_i32_0 = arith.constant 0 : i32
    %c0_i32_1 = arith.constant 0 : i32
    return %arg0, %c0_i32, %c0_i32_0 : i32, i32, i32
  }
  func.func @transform_8(%arg0: i32) -> (i32, i32, i32) {
    %c0_i32 = arith.constant 0 : i32
    %c0_i32_0 = arith.constant 0 : i32
    %c0_i32_1 = arith.constant 0 : i32
    return %arg0, %c0_i32, %c0_i32_0 : i32, i32, i32
  }
}

</mosaic_0001>

<sc_bundles>
// kernel: kernel.5.cloned.1.call-start
scs
__scs_entry_jumppad:
0x0: {  	(pc) =	sbr.rel $0x88, $3  }
0x1: {  	(tag) =	ssettag $0x0;
	lr =	simm.s32 $0x1  }
0x2: {  	[smem:$0x3F97] =	sst lr;
	_ =	strace $0xD0000000  }
0x3: {  	_ = 	snop  }
0x4: {  	_ = 	snop  }
0x5: {  	_ = 	snop  }
0x6: {  	_ = 	snop  }
0x7: {  	_ = 	snop  }
__scs_overlays_trampoline_lowered:
0x8: {  	[smem:$0x3FA6] =	sst s0  }
0x9: {  	[smem:$0x3FA7] =	sst s1  }
0xa: {  	[smem:$0x3FA8] =	sst s2  }
0xb: {  	[smem:$0x3FA9] =	sst s3  }
0xc: {  	[smem:$0x3FAA] =	sst s4  }
0xd: {  	[smem:$0x3FAB] =	sst s5  }
0xe: {  	[smem:$0x3FAC] =	sst s6  }
0xf: {  	[smem:$0x3FAD] =	sst s7  }
0x10: {  	[smem:$0x3FAE] =	sst s8  }
0x11: {  	[smem:$0x3FAF] =	sst s9;
	s0 =	simm.s32 @!p0 $0x0  }
0x12: {  	s1 =	sld [smem:$0x3F95];
	s0 =	simm.s32 @p0 $0x1  }
0x13: {  	[smem:$0x3FB0] =	sst s0;
	s0 =	simm.s32 @!p1 $0x0  }
0x14: {  	s2 =	sld [smem:$0x3F94];
	s0 =	simm.s32 @p1 $0x1  }
0x15: {  	[smem:$0x3FB1] =	sst s0;
	s0 =	simm.s32 @!p2 $0x0  }
0x16: {  	s3 =	sld [smem:$0x3FDB];
	s0 =	simm.s32 @p2 $0x1  }
0x17: {  	s4 =	simm.s32 $0x1BF5;
	[smem:$0x3FB3] =	sst s0  }
0x18: {  	s0 =	sld [smem:$0x3F96];
	_ =	swait.ge [sflag:s4], $0x0  }
0x19: {  	s7 =	sld [smem:$0x3F97]  }
0x1a: {  	s8 =	sadd.s32 $0xFFFFE003, lr  }
0x1b: {  	s9 =	sadd.s32 $0xFFFFFEF7, lr;
	s5 =	simm.s32 $0xFFFFFFFF;
	p2 =	slt.u32 s8, $0xFFFFF086  }
0x1c: {  	p1 =	slt.u32 s9, $0xF7A;
	s5 =	simm.s32 @!p2 $0x0  }
0x1d: {  	s5 =	simm.s32 @p1 $0x1;
	p0 =	seq.s32 s7, s2  }
0x1e: {  	s7 =	smul.u32 @!p0 $0xF7A, s2;
	p2 =	seq.s32 @!p0 s5, $0x0  }
0x1f: {  	s9 =	smul.u32 $0xF7A, s1;
	s8 =	simm.s32 @!p0 $0x1BF5;
	p2 =	por !p2, p0  }
0x20: {  	[sflag:s8] =	ssyncset.s32 @!p0 $0xFFFFF086;
	s6 =	sadd.s32 @!p0 s3, s7;
	s7 =	simm.s32 @!p0 $0x108  }
0x21: {  	s3 =	sadd.s32 s3, s9;
	s6 =	sadd.s32 @!p0 $0x88, s6;
	s7 =	simm.s32 @p2 $0x1082  }
0x22: {  	[simem:s7], [sflag:s8] =	dma.local @!p0 [hbm:s6], $0xF7A  }
0x23: {  	s9 =	sor.u32 $0xD0000000, s2;
	s6 =	simm.s32 $0x108;
	_ =	swait.ge @!p0 [sflag:s8], $0x0  }
0x24: {  	s3 =	sadd.s32 $0x88, s3;
	s6 =	simm.s32 @!p1 $0x1082;
	[sflag:s4] =	ssyncset.s32 $0xFFFFF086  }
0x25: {  	[simem:s6], [sflag:s4] =	dma.local [hbm:s3], $0xF7A  }
0x26: {  	[smem:$0x3F97] =	sst s1;
	(tag) =	ssettag s2;
	_ =	strace s9  }
0x27: {  	s1 =	sld [smem:$0x3FA7]  }
0x28: {  	s2 =	sld [smem:$0x3FA8]  }
0x29: {  	s4 =	sld [smem:$0x3FAA]  }
0x2a: {  	p0 =	seq.s32 s5, $0x0;
	s5 =	sld [smem:$0x3FAB]  }
0x2b: {  	s6 =	sld [smem:$0x3FAC]  }
0x2c: {  	s7 =	sld [smem:$0x3FAD]  }
0x2d: {  	s3 =	simm.s32 $0x108;
	s8 =	sld [smem:$0x3FAE]  }
0x2e: {  	s3 =	simm.s32 @!p0 $0x1082;
	s9 =	sld [smem:$0x3FAF]  }
0x2f: {  	lr =	sadd.s32 s0, s3;
	s0 =	sld [smem:$0x3FA6]  }
0x30: {  	s3 =	sld [smem:$0x3FA9]  }
0x31: {  	[smem:$0x3FB2] =	sst s10  }
0x32: {  	s10 =	sld [smem:$0x3FB0];
	_ =	sdelay $0x3  }
0x33: {  	p0 =	seq.s32 s10, $0x1;
	s10 =	sld [smem:$0x3FB2];
	_ =	sdelay $0x3  }
0x34: {  	[smem:$0x3FB2] =	sst s10  }
0x35: {  	s10 =	sld [smem:$0x3FB1];
	_ =	sdelay $0x3  }
0x36: {  	p1 =	seq.s32 s10, $0x1;
	s10 =	sld [smem:$0x3FB2];
	_ =	sdelay $0x3  }
0x37: {  	[smem:$0x3FB2] =	sst s10  }
0x38: {  	s10 =	sld [smem:$0x3FB3]  }
0x39: {  	_ = 	snop;
	(pc) =	sbr.ind lr, $3  }
0x3a: {  	_ = 	snop  }
0x3b: {  	_ = 	snop  }
0x3c: {  	p2 =	seq.s32 s10, $0x1;
	s10 =	sld [smem:$0x3FB2]  }
0x3d: {  	_ =	shalt  }
0x3e: {  	_ =	shalt  }
0x3f: {  	_ =	shalt  }
0x40: {  	_ =	shalt  }
0x41: {  	_ =	shalt  }
0x42: {  	_ =	shalt  }
0x43: {  	_ =	shalt  }
0x44: {  	_ =	shalt  }
0x45: {  	_ =	shalt  }
0x46: {  	_ =	shalt  }
0x47: {  	_ =	shalt  }
0x48: {  	_ =	shalt  }
0x49: {  	_ =	shalt  }
0x4a: {  	_ =	shalt  }
0x4b: {  	_ =	shalt  }
0x4c: {  	_ =	shalt  }
0x4d: {  	_ =	shalt  }
0x4e: {  	_ =	shalt  }
0x4f: {  	_ =	shalt  }
0x50: {  	_ =	shalt  }
0x51: {  	_ =	shalt  }
0x52: {  	_ =	shalt  }
0x53: {  	_ =	shalt  }
0x54: {  	_ =	shalt  }
0x55: {  	_ =	shalt  }
0x56: {  	_ =	shalt  }
0x57: {  	_ =	shalt  }
0x58: {  	_ =	shalt  }
0x59: {  	_ =	shalt  }
0x5a: {  	_ =	shalt  }
0x5b: {  	_ =	shalt  }
0x5c: {  	_ =	shalt  }
0x5d: {  	_ =	shalt  }
0x5e: {  	_ =	shalt  }
0x5f: {  	_ =	shalt  }
0x60: {  	_ =	shalt  }
0x61: {  	_ =	shalt  }
0x62: {  	_ =	shalt  }
0x63: {  	_ =	shalt  }
0x64: {  	_ =	shalt  }
0x65: {  	_ =	shalt  }
0x66: {  	_ =	shalt  }
0x67: {  	_ =	shalt  }
0x68: {  	_ =	shalt  }
0x69: {  	_ =	shalt  }
0x6a: {  	_ =	shalt  }
0x6b: {  	_ =	shalt  }
0x6c: {  	_ =	shalt  }
0x6d: {  	_ =	shalt  }
0x6e: {  	_ =	shalt  }
0x6f: {  	_ =	shalt  }
0x70: {  	_ =	shalt  }
0x71: {  	_ =	shalt  }
0x72: {  	_ =	shalt  }
0x73: {  	_ =	shalt  }
0x74: {  	_ =	shalt  }
0x75: {  	_ =	shalt  }
0x76: {  	_ =	shalt  }
0x77: {  	_ =	shalt  }
0x78: {  	_ =	shalt  }
0x79: {  	_ =	shalt  }
0x7a: {  	_ =	shalt  }
0x7b: {  	_ =	shalt  }
0x7c: {  	_ =	shalt  }
0x7d: {  	_ =	shalt  }
0x7e: {  	_ =	shalt  }
0x7f: {  	_ =	shalt  }
0x80: {  	_ =	shalt  }
0x81: {  	_ =	shalt  }
0x82: {  	_ =	shalt  }
0x83: {  	_ =	shalt  }
0x84: {  	_ =	shalt  }
0x85: {  	_ =	shalt  }
0x86: {  	_ =	shalt  }
0x87: {  	_ =	shalt  }
.Lfunc_end0:
.L_simem_size_0:
called_computation_lowered:
.L_overlay_start_0:
0x88: {  	s2 =	sld [smem:$0x3FD9]  }
0x89: {  	s3 =	sld [smem:$0x3FFE];
	_ =	sdelay $0x1  }
0x8a: {  	s1 =	srdreg.scid  }
0x8b: {  	s0 =	sand.u32 $0x1, s1  }
0x8c: {  	s17 =	sshll.u32 s0, $0xA;
	s2 =	sadd.s32 s3, s2  }
0x8d: {  	s2 =	sadd.s32 s2, s17  }
0x8e: {  	[smem:$0x3FBE] =	sst s2  }
0x8f: {  	_ = 	snop  }
0x90: {  	s2 =	sld [smem:$0x3FD0];
	(tm) =	ssettm $0x1  }
0x91: {  	s18 =	sld [smem:$0x3FFB];
	_ =	sdelay $0x3  }
0x92: {  	_ =	strace s18  }
0x93: {  	s3 =	sld [smem:$0x3FFC];
	_ =	sdelay $0x3  }
0x94: {  	_ =	strace s3  }
0x95: {  	s3 =	sld [smem:$0x3FFD];
	_ =	sdelay $0x3  }
0x96: {  	_ =	strace s3  }
0x97: {  	_ =	strace $0x8FFFFFFF  }
0x98: {  	s19 =	sld [smem:$0x3FDB];
	_ =	sdelay $0x1  }
0x99: {  	s4 =	simm.s32 $_scs_section_size  }
0x9a: {  	s5 =	simm.s32 $_size__tile_overlayer_lowered;
	s6 =	simm.s32 $_tile_overlayer_lowered  }
0x9b: {  	s22 =	simm.s32 $0x1BFF;
	s21 =	sshll.u32 s6, $0x1;
	s3 =	sadd.s32 s4, s19  }
0x9c: {  	s7 =	simm.s32 $0x0;
	s20 =	sshll.u32 s5, $0x1;
	s5 =	sadd.s32 s21, s3  }
0x9d: {  	[timem:s7], [sflag:s22] =	dma.local [hbm:s5], s20  }
0x9e: {  	_ =	swait.ge [sflag:s22], s20  }
0x9f: {  	s4 =	ssub.s32 $0x0, s20;
	[sflag:s22] =	ssyncset.done $0x0  }
0xa0: {  	[sflag:s22] =	ssyncadd.s32 s4;
	_ =	sdelay $0x1  }
0xa1: {  	s23 =	simm.s32 $0x1B8B  }
0xa2: {  	_ =	swait.ge [sflag:s23], $0x1  }
0xa3: {  	[sflag:s23] =	ssyncset.done $0x0  }
0xa4: {  	s25 =	simm.s32 $0x1B8E;
	s24 =	sld [smem:$0x3FFE];
	[sflag:s23] =	ssyncadd.s32 $0xFFFFFFFF  }
0xa5: {  	s26 =	simm.s32 $execute0_lowered;
	[smem:$0x3FD2] =	sst s25  }
0xa6: {  	s5 =	sshll.u32 s26, $0x1;
	_ =	strace $0x80000046;
	[dreg:$0x1] =	wrdreg $0xFFFFFFFF  }
0xa7: {  	s28 =	simm.s32 $_size_execute0_lowered;
	s3 =	sadd.s32 s3, s5;
	[dreg:$0x0] =	wrdreg $0x0  }
0xa8: {  	s5 =	sshll.u32 s28, $0x1;
	[dreg:$0x2] =	wrdreg s3  }
0xa9: {  	[dreg:$0x3] =	wrdreg s5  }
0xaa: {  	[dreg:$0x4] =	wrdreg $0xC0  }
0xab: {  	_ =	task [dreg:s7], $0x5FFFF  }
0xac: {  	[dreg:$0x1] =	wrdreg $0xFFFFFFFF  }
0xad: {  	[dreg:$0x0] =	wrdreg $0x60  }
0xae: {  	[dreg:$0x2] =	wrdreg s24  }
0xaf: {  	[dreg:$0x3] =	wrdreg s2  }
0xb0: {  	[dreg:$0x4] =	wrdreg $0x9  }
0xb1: {  	_ =	task.clear_ibuf [dreg:s7], $0x5FFFF;
	_ =	strace $0x90000046  }
0xb2: {  	s29 =	simm.s32 $0x9;
	_ =	strace $0x80000048  }
0xb3: {  	_ =	swait.ge [sflag:s29], $0x1  }
0xb4: {  	[sflag:s29] =	ssyncadd.s32 $0xFFFFFFFF  }
0xb5: {  	_ =	strace $0x90000048  }
0xb6: {  	_ =	sfence  }
0xb7: {  	s30 =	sld [smem:$0x0];
	_ =	sdelay $0x2  }
0xb8: {  	s31 =	sshll.u32 s1, $0xD;
	s1 =	sshrl.u32 s1, $0x2  }
0xb9: {  	s3 =	sand.u32 $0x4000, s31;
	s1 =	sadd.s32 s1, s30  }
0xba: {  	s0 =	sor.u32 s3, s0;
	s1 =	sshll.u32 s1, $0x11  }
0xbb: {  	s0 =	sor.u32 s1, s0  }
0xbc: {  	s0 =	sadd.s32 $0x8F2B, s0  }
0xbd: {  	[sflag:s0] =	ssyncadd.remote.s32 $0x1  }
0xbe: {  	_ =	sfence.sel $0xFFFF  }
0xbf: {  	[dreg:$0x0] =	wrdreg $0xFFFFFFFF;
	(pc) =	sbr.abs _section_cstart, $3  }
0xc0: {  	[dreg:$0x1] =	wrdreg $0xFFFFFFFF  }
0xc1: {  	_ =	task.clear_ibuf [dreg:s7], $0x2FFFF;
	_ =	strace $0x9FFFFFFF  }
0xc2: {  	(tm) =	ssettm $0x7FFFFFFF  }
0xc3: {  	_ =	shalt  }
tec
execute0_lowered:
.L_overlay_start_1:
0x0: {  	(tag) =	ssettag $0x1  }
0x1: {  	s2 =	srdreg.scid;
	s0 =	stileid.u32  }
0x2: {  	s11 =	sand.u32 $0x1, s2;
	s4 =	sshll.u32 s0, $0x1  }
0x3: {  	s4 =	sor.u32 s11, s4  }
0x4: {  	p0 =	sgt.u32 s4, $0x18  }
.Ltmp0:
0x5: {  	_ = 	snop;
	(pc) =	sbr.rel @p0 .LBB2_3-.Ltmp0, $4  }
0x6: {  	_ = 	snop  }
0x7: {  	s1 =	rddreg [dreg:$0x0];
	s2 =	simm.s32 $0x0  }
0x8: {  	[smem:$0x7FF] =	sst s2  }
0x9: {  	s3 =	rddreg [dreg:$0x1];
	_ =	strace $0x80000047  }
0xa: {  	s5 =	sshll.u32 s4, $0xD;
	s17 =	sshll.u32 s4, $0x2;
	s18 =	simm.s32 $0x880  }
0xb: {  	s19 =	simm.s32 $0x1080;
	s20 =	simm.s32 $0x1880;
	s4 =	sadd.s32 $0x2300, s1  }
0xc: {  	s6 =	simm.s32 $0x2080;
	s7 =	simm.s32 $0x2880;
	[dreg:$0x5] =	wrdreg s18  }
0xd: {  	s8 =	simm.s32 $0x3080;
	s9 =	simm.s32 $0x3880;
	[dreg:$0x6] =	wrdreg s19  }
0xe: {  	s10 =	simm.s32 $0x4080;
	s12 =	simm.s32 $0x4880;
	[dreg:$0x7] =	wrdreg s20  }
0xf: {  	s21 =	simm.s32 $0x5080;
	s11 =	ssub.s32 $0x2, s11;
	[dreg:$0x8] =	wrdreg s6  }
0x10: {  	s22 =	simm.s32 $0x5880;
	s24 =	simm.s32 $0x6080;
	[dreg:$0x9] =	wrdreg s7  }
0x11: {  	s25 =	simm.s32 $0x6880;
	s26 =	simm.s32 $0x7080;
	[dreg:$0xa] =	wrdreg s8  }
0x12: {  	s13 =	simm.s32 $0x80;
	s15 =	simm.s32 $0x8080;
	[dreg:$0xb] =	wrdreg s9  }
0x13: {  	s16 =	simm.s32 $0x8880;
	s28 =	simm.s32 $0xE080;
	[dreg:$0xc] =	wrdreg s10  }
0x14: {  	s29 =	simm.s32 $0xE880;
	s30 =	simm.s32 $0xF080;
	[dreg:$0xd] =	wrdreg s12  }
0x15: {  	s31 =	simm.s32 $0xF880;
	s5 =	sadd.s32 s5, s1;
	[dreg:$0xe] =	wrdreg s21  }
0x16: {  	s3 =	sadd.s32 s3, s17;
	s6 =	sadd.s32 $0x2500, s1;
	[dreg:$0xf] =	wrdreg s22  }
0x17: {  	s7 =	sadd.s32 $0x2600, s1;
	s8 =	sadd.s32 $0x2700, s1;
	[dreg:$0x10] =	wrdreg s24  }
0x18: {  	s9 =	sadd.s32 $0x2800, s1;
	s10 =	sadd.s32 $0x2900, s1;
	[dreg:$0x11] =	wrdreg s25  }
0x19: {  	s23 =	sshrl.u32 s11, $0x1;
	s12 =	simm.s32 $0x2;
	[dreg:$0x12] =	wrdreg s26  }
0x1a: {  	s17 =	simm.s32 $0x9080;
	s18 =	simm.s32 $0x9880;
	s19 =	simm.s32 $0xA080  }
0x1b: {  	s20 =	simm.s32 $0xA880;
	s21 =	simm.s32 $0xB080;
	s22 =	simm.s32 $0xB880  }
0x1c: {  	s24 =	simm.s32 $0xC880;
	s25 =	simm.s32 $0xD080;
	s26 =	simm.s32 $0xD880  }
0x1d: {  	v2 =	vlaneseq.u32;
	s5 =	sadd.s32 $0x7F200, s5;
	[dreg:$0x4] =	wrdreg s3;
	s3 =	sadd.s32 $0x2200, s1  }
0x1e: {  	vm0 =	vmmov $0xffff;
	v1 =	vshrl.u32 v2, $0x3;
	s11 =	ssub.s32 s11, s23;
	s23 =	simm.s32 $0xC080;
	[dreg:$0x3] =	wrdreg s5  }
0x1f: {  	v0 =	vand.u32 $0x7, v2;
	v2 =	vor.u32 $0x8, v2;
	v1 =	vmul.u32 $0x8, v1;
	s5 =	sadd.s32 $0x2400, s1;
	s11 =	smax.u32 s11, $0x1;
	s1 =	simm.s32 $0x1  }
.LBB2_2:
0x20: {  	s0 =	rddreg [dreg:$0x4]  }
0x21: {  	[tilespmem:s2], [sflag:$0x2] =	stream.linear.gather [hbm4b:s0+s2], $0x20, $0x38;
	[tilespmem:$0x10080] =	vst v63  }
0x22: {  	_ =	swait.ge [sflag:s12], $0x20  }
0x23: {  	[sflag:s12] =	ssyncset.done $0x0  }
0x24: {  	[sflag:s12] =	ssyncadd.s32 $0xFFFFFFE0  }
0x25: {  	v3 =	vld [tilespmem:$0x0];
	_ =	sdelay $0x4  }
0x26: {  	v4 =	vshll.u32 v3, $0x4  }
0x27: {  	v3 =	vand.u32 $0x7, v3;
	v4 =	vand.u32 $0xFFFFFF80, v4  }
0x28: {  	v3 =	vor.u32 v3, v4  }
0x29: {  	v4 =	vperm.xlane v3, v0;
	_ =	sdelay $0x1  }
0x2a: {  	v4 =	vadd.s32 v1, v4;
	_ =	sdelay $0x4  }
0x2b: {  	[tilespmem:s13], [sflag:$0x1] =	stream.indirect_vreg.gather [hbm4b:s3+s2], $0x80, v4, vm0, $0xb8;
	[tilespmem:$0x10080] =	vst v63  }
0x2c: {  	s0 =	rddreg [dreg:$0x5]  }
0x2d: {  	[tilespmem:s0], [sflag:$0x1] =	stream.indirect_vreg.gather [hbm4b:s4+s2], $0x80, v4, vm0, $0xb8;
	[tilespmem:$0x10080] =	vst v63  }
0x2e: {  	s14 =	rddreg [dreg:$0x6]  }
0x2f: {  	[tilespmem:s14], [sflag:$0x1] =	stream.indirect_vreg.gather [hbm4b:s5+s2], $0x80, v4, vm0, $0xb8;
	[tilespmem:$0x10080] =	vst v63  }
0x30: {  	s0 =	rddreg [dreg:$0x7]  }
0x31: {  	[tilespmem:s0], [sflag:$0x1] =	stream.indirect_vreg.gather [hbm4b:s6+s2], $0x80, v4, vm0, $0xb8;
	[tilespmem:$0x10080] =	vst v63  }
0x32: {  	s14 =	rddreg [dreg:$0x8]  }
0x33: {  	[tilespmem:s14], [sflag:$0x1] =	stream.indirect_vreg.gather [hbm4b:s7+s2], $0x80, v4, vm0, $0xb8;
	[tilespmem:$0x10080] =	vst v63  }
0x34: {  	v3 =	vperm.xlane v3, v2;
	s0 =	rddreg [dreg:$0x9]  }
0x35: {  	[tilespmem:s0], [sflag:$0x1] =	stream.indirect_vreg.gather [hbm4b:s8+s2], $0x80, v4, vm0, $0xb8;
	[tilespmem:$0x10080] =	vst v63  }
0x36: {  	v3 =	vadd.s32 v1, v3;
	s14 =	rddreg [dreg:$0xa]  }
0x37: {  	[tilespmem:s14], [sflag:$0x1] =	stream.indirect_vreg.gather [hbm4b:s9+s2], $0x80, v4, vm0, $0xb8;
	[tilespmem:$0x10080] =	vst v63  }
0x38: {  	s0 =	rddreg [dreg:$0xb]  }
0x39: {  	[tilespmem:s0], [sflag:$0x1] =	stream.indirect_vreg.gather [hbm4b:s10+s2], $0x80, v4, vm0, $0xb8;
	[tilespmem:$0x10080] =	vst v63  }
0x3a: {  	s14 =	rddreg [dreg:$0xc]  }
0x3b: {  	[tilespmem:s14], [sflag:$0x1] =	stream.indirect_vreg.gather [hbm4b:s3+s2], $0x80, v3, vm0, $0xb8;
	[tilespmem:$0x10080] =	vst v63  }
0x3c: {  	s0 =	rddreg [dreg:$0xd]  }
0x3d: {  	[tilespmem:s0], [sflag:$0x1] =	stream.indirect_vreg.gather [hbm4b:s4+s2], $0x80, v3, vm0, $0xb8;
	[tilespmem:$0x10080] =	vst v63  }
0x3e: {  	s14 =	rddreg [dreg:$0xe]  }
0x3f: {  	[tilespmem:s14], [sflag:$0x1] =	stream.indirect_vreg.gather [hbm4b:s5+s2], $0x80, v3, vm0, $0xb8;
	[tilespmem:$0x10080] =	vst v63  }
0x40: {  	s0 =	rddreg [dreg:$0xf]  }
0x41: {  	[tilespmem:s0], [sflag:$0x1] =	stream.indirect_vreg.gather [hbm4b:s6+s2], $0x80, v3, vm0, $0xb8;
	[tilespmem:$0x10080] =	vst v63  }
0x42: {  	s14 =	rddreg [dreg:$0x10]  }
0x43: {  	[tilespmem:s14], [sflag:$0x1] =	stream.indirect_vreg.gather [hbm4b:s7+s2], $0x80, v3, vm0, $0xb8;
	[tilespmem:$0x10080] =	vst v63  }
0x44: {  	s0 =	rddreg [dreg:$0x11]  }
0x45: {  	[tilespmem:s0], [sflag:$0x1] =	stream.indirect_vreg.gather [hbm4b:s8+s2], $0x80, v3, vm0, $0xb8;
	[tilespmem:$0x10080] =	vst v63  }
0x46: {  	s14 =	rddreg [dreg:$0x12]  }
0x47: {  	[tilespmem:s14], [sflag:$0x1] =	stream.indirect_vreg.gather [hbm4b:s9+s2], $0x80, v3, vm0, $0xb8;
	[tilespmem:$0x10080] =	vst v63  }
0x48: {  	s14 =	simm.s32 $0x7880  }
0x49: {  	[tilespmem:s14], [sflag:$0x1] =	stream.indirect_vreg.gather [hbm4b:s10+s2], $0x80, v3, vm0, $0xb8;
	[tilespmem:$0x10080] =	vst v63  }
0x4a: {  	v3 =	vld [tilespmem:$0x10];
	_ =	sdelay $0x4  }
0x4b: {  	v63 =	vshll.u32 v3, $0x4  }
0x4c: {  	v3 =	vand.u32 $0x7, v3;
	v4 =	vand.u32 $0xFFFFFF80, v63  }
0x4d: {  	v3 =	vor.u32 v3, v4  }
0x4e: {  	v4 =	vperm.xlane v3, v0;
	_ =	sdelay $0x1  }
0x4f: {  	v4 =	vadd.s32 v1, v4;
	_ =	sdelay $0x4  }
0x50: {  	[tilespmem:s15], [sflag:$0x1] =	stream.indirect_vreg.gather [hbm4b:s3+s2], $0x80, v4, vm0, $0xb8;
	[tilespmem:$0x10080] =	vst v63  }
0x51: {  	_ = 	snop  }
0x52: {  	[tilespmem:s16], [sflag:$0x1] =	stream.indirect_vreg.gather [hbm4b:s4+s2], $0x80, v4, vm0, $0xb8;
	[tilespmem:$0x10080] =	vst v63  }
0x53: {  	_ = 	snop  }
0x54: {  	[tilespmem:s17], [sflag:$0x1] =	stream.indirect_vreg.gather [hbm4b:s5+s2], $0x80, v4, vm0, $0xb8;
	[tilespmem:$0x10080] =	vst v63  }
0x55: {  	_ = 	snop  }
0x56: {  	[tilespmem:s18], [sflag:$0x1] =	stream.indirect_vreg.gather [hbm4b:s6+s2], $0x80, v4, vm0, $0xb8;
	[tilespmem:$0x10080] =	vst v63  }
0x57: {  	_ = 	snop  }
0x58: {  	[tilespmem:s19], [sflag:$0x1] =	stream.indirect_vreg.gather [hbm4b:s7+s2], $0x80, v4, vm0, $0xb8;
	[tilespmem:$0x10080] =	vst v63  }
0x59: {  	v3 =	vperm.xlane v3, v2  }
0x5a: {  	[tilespmem:s20], [sflag:$0x1] =	stream.indirect_vreg.gather [hbm4b:s8+s2], $0x80, v4, vm0, $0xb8;
	[tilespmem:$0x10080] =	vst v63  }
0x5b: {  	v3 =	vadd.s32 v1, v3  }
0x5c: {  	[tilespmem:s21], [sflag:$0x1] =	stream.indirect_vreg.gather [hbm4b:s9+s2], $0x80, v4, vm0, $0xb8;
	[tilespmem:$0x10080] =	vst v63  }
0x5d: {  	_ = 	snop  }
0x5e: {  	[tilespmem:s22], [sflag:$0x1] =	stream.indirect_vreg.gather [hbm4b:s10+s2], $0x80, v4, vm0, $0xb8;
	[tilespmem:$0x10080] =	vst v63  }
0x5f: {  	_ = 	snop  }
0x60: {  	[tilespmem:s23], [sflag:$0x1] =	stream.indirect_vreg.gather [hbm4b:s3+s2], $0x80, v3, vm0, $0xb8;
	[tilespmem:$0x10080] =	vst v63  }
0x61: {  	_ = 	snop  }
0x62: {  	[tilespmem:s24], [sflag:$0x1] =	stream.indirect_vreg.gather [hbm4b:s4+s2], $0x80, v3, vm0, $0xb8;
	[tilespmem:$0x10080] =	vst v63  }
0x63: {  	_ = 	snop  }
0x64: {  	[tilespmem:s25], [sflag:$0x1] =	stream.indirect_vreg.gather [hbm4b:s5+s2], $0x80, v3, vm0, $0xb8;
	[tilespmem:$0x10080] =	vst v63  }
0x65: {  	_ = 	snop  }
0x66: {  	[tilespmem:s26], [sflag:$0x1] =	stream.indirect_vreg.gather [hbm4b:s6+s2], $0x80, v3, vm0, $0xb8;
	[tilespmem:$0x10080] =	vst v63  }
0x67: {  	_ = 	snop  }
0x68: {  	[tilespmem:s28], [sflag:$0x1] =	stream.indirect_vreg.gather [hbm4b:s7+s2], $0x80, v3, vm0, $0xb8;
	[tilespmem:$0x10080] =	vst v63  }
0x69: {  	_ = 	snop  }
0x6a: {  	[tilespmem:s29], [sflag:$0x1] =	stream.indirect_vreg.gather [hbm4b:s8+s2], $0x80, v3, vm0, $0xb8;
	[tilespmem:$0x10080] =	vst v63  }
0x6b: {  	_ = 	snop  }
0x6c: {  	[tilespmem:s30], [sflag:$0x1] =	stream.indirect_vreg.gather [hbm4b:s9+s2], $0x80, v3, vm0, $0xb8;
	[tilespmem:$0x10080] =	vst v63  }
0x6d: {  	_ = 	snop  }
0x6e: {  	[tilespmem:s31], [sflag:$0x1] =	stream.indirect_vreg.gather [hbm4b:s10+s2], $0x80, v3, vm0, $0xb8;
	[tilespmem:$0x10080] =	vst v63  }
0x6f: {  	_ =	swait.ge [sflag:s1], $0x10000  }
0x70: {  	p0 =	sne.s32 s11, $0x1;
	[sflag:s1] =	ssyncset.done $0x0  }
.Ltmp1:
0x71: {  	s14 =	rddreg [dreg:$0x3];
	[sflag:s1] =	ssyncadd.s32 $0xFFFF0000;
	(pc) =	sbr.rel @p0 .LBB2_2-.Ltmp1, $4  }
0x72: {  	[hbm4b:s14+s2] =	stream.linear.scatter [tilespmem:s13], [sflag:$0x2], $0x10000, $0x38;
	[tilespmem:$0x10080] =	vst v63  }
0x73: {  	_ =	swait.ge [sflag:s12], $0x10000  }
0x74: {  	[sflag:s12] =	ssyncset.done $0x0  }
0x75: {  	s11 =	sadd.s32 $0xFFFFFFFF, s11;
	[sflag:s12] =	ssyncadd.s32 $0xFFFF0000  }
.LBB2_3:
0x76: {  	_ =	sfence.sel $0x180000  }
0x77: {  	[bflag:$0x0] =	sbarrier.arrive $0xFFFF  }
0x78: {  	_ =	strace $0x90000047  }
0x79: {  	s0 =	stileid.u32;
	[bflag:$0x2] =	sbarrier.arrive $0xFFFF  }
0x7a: {  	p0 =	sne.s32 s0, $0x0;
	s0 =	rddreg [dreg:$0x2]  }
0x7b: {  	s0 =	sadd.s32 @!p0 $0x100000, s0  }
0x7c: {  	[sflag:s0] =	ssyncadd.tile.s32 @!p0 $0x1;
	_ =	shalt  }
.Lfunc_end2:
_tile_overlayer_lowered:
.L_overlay_start_2:
0x7d: {  	(tag) =	ssettag $0x2  }
0x7e: {  	s0 =	rddreg [dreg:$0x0];
	s2 =	stileid.u32  }
0x7f: {  	s1 =	rddreg [dreg:$0x1];
	p0 =	sne.s32 s2, $0x0  }
0x80: {  	s3 =	rddreg [dreg:$0x2];
	[bflag:$0x3] =	sbarrier.arrive $0xFFFF;
	s2 =	simm.s32 @!p0 $0x1C02  }
0x81: {  	[timem:s3], [sflag:s2] =	dma.local @!p0 [hbm:s0], s1  }
0x82: {  	s0 =	simm.s32 @!p0 $0x2  }
0x83: {  	_ =	swait.ge @!p0 [sflag:s0], s1  }
0x84: {  	s1 =	ssub.s32 @!p0 $0x0, s1;
	[sflag:s0] =	ssyncset.done @!p0 $0x0  }
0x85: {  	[sflag:s0] =	ssyncadd.s32 @!p0 s1  }
0x86: {  	[bflag:$0x3] =	sbarrier.arrive $0xFFFF  }
0x87: {  	_ =	shalt  }

// kernel: kernel.8.cloned.1.call-start
scs
__scs_entry_jumppad:
0x0: {  	(pc) =	sbr.rel $0x88, $3  }
0x1: {  	(tag) =	ssettag $0x0;
	lr =	simm.s32 $0x1  }
0x2: {  	[smem:$0x3F97] =	sst lr;
	_ =	strace $0xD0000000  }
0x3: {  	_ = 	snop  }
0x4: {  	_ = 	snop  }
0x5: {  	_ = 	snop  }
0x6: {  	_ = 	snop  }
0x7: {  	_ = 	snop  }
__scs_overlays_trampoline_lowered:
0x8: {  	[smem:$0x3FA6] =	sst s0  }
0x9: {  	[smem:$0x3FA7] =	sst s1  }
0xa: {  	[smem:$0x3FA8] =	sst s2  }
0xb: {  	[smem:$0x3FA9] =	sst s3  }
0xc: {  	[smem:$0x3FAA] =	sst s4  }
0xd: {  	[smem:$0x3FAB] =	sst s5  }
0xe: {  	[smem:$0x3FAC] =	sst s6  }
0xf: {  	[smem:$0x3FAD] =	sst s7  }
0x10: {  	[smem:$0x3FAE] =	sst s8  }
0x11: {  	[smem:$0x3FAF] =	sst s9;
	s0 =	simm.s32 @!p0 $0x0  }
0x12: {  	s1 =	sld [smem:$0x3F95];
	s0 =	simm.s32 @p0 $0x1  }
0x13: {  	[smem:$0x3FB0] =	sst s0;
	s0 =	simm.s32 @!p1 $0x0  }
0x14: {  	s2 =	sld [smem:$0x3F94];
	s0 =	simm.s32 @p1 $0x1  }
0x15: {  	[smem:$0x3FB1] =	sst s0;
	s0 =	simm.s32 @!p2 $0x0  }
0x16: {  	s3 =	sld [smem:$0x3FDB];
	s0 =	simm.s32 @p2 $0x1  }
0x17: {  	s4 =	simm.s32 $0x1BF5;
	[smem:$0x3FB3] =	sst s0  }
0x18: {  	s0 =	sld [smem:$0x3F96];
	_ =	swait.ge [sflag:s4], $0x0  }
0x19: {  	s7 =	sld [smem:$0x3F97]  }
0x1a: {  	s8 =	sadd.s32 $0xFFFFE003, lr  }
0x1b: {  	s9 =	sadd.s32 $0xFFFFFEF7, lr;
	s5 =	simm.s32 $0xFFFFFFFF;
	p2 =	slt.u32 s8, $0xFFFFF086  }
0x1c: {  	p1 =	slt.u32 s9, $0xF7A;
	s5 =	simm.s32 @!p2 $0x0  }
0x1d: {  	s5 =	simm.s32 @p1 $0x1;
	p0 =	seq.s32 s7, s2  }
0x1e: {  	s7 =	smul.u32 @!p0 $0xF7A, s2;
	p2 =	seq.s32 @!p0 s5, $0x0  }
0x1f: {  	s9 =	smul.u32 $0xF7A, s1;
	s8 =	simm.s32 @!p0 $0x1BF5;
	p2 =	por !p2, p0  }
0x20: {  	[sflag:s8] =	ssyncset.s32 @!p0 $0xFFFFF086;
	s6 =	sadd.s32 @!p0 s3, s7;
	s7 =	simm.s32 @!p0 $0x108  }
0x21: {  	s3 =	sadd.s32 s3, s9;
	s6 =	sadd.s32 @!p0 $0x88, s6;
	s7 =	simm.s32 @p2 $0x1082  }
0x22: {  	[simem:s7], [sflag:s8] =	dma.local @!p0 [hbm:s6], $0xF7A  }
0x23: {  	s9 =	sor.u32 $0xD0000000, s2;
	s6 =	simm.s32 $0x108;
	_ =	swait.ge @!p0 [sflag:s8], $0x0  }
0x24: {  	s3 =	sadd.s32 $0x88, s3;
	s6 =	simm.s32 @!p1 $0x1082;
	[sflag:s4] =	ssyncset.s32 $0xFFFFF086  }
0x25: {  	[simem:s6], [sflag:s4] =	dma.local [hbm:s3], $0xF7A  }
0x26: {  	[smem:$0x3F97] =	sst s1;
	(tag) =	ssettag s2;
	_ =	strace s9  }
0x27: {  	s1 =	sld [smem:$0x3FA7]  }
0x28: {  	s2 =	sld [smem:$0x3FA8]  }
0x29: {  	s4 =	sld [smem:$0x3FAA]  }
0x2a: {  	p0 =	seq.s32 s5, $0x0;
	s5 =	sld [smem:$0x3FAB]  }
0x2b: {  	s6 =	sld [smem:$0x3FAC]  }
0x2c: {  	s7 =	sld [smem:$0x3FAD]  }
0x2d: {  	s3 =	simm.s32 $0x108;
	s8 =	sld [smem:$0x3FAE]  }
0x2e: {  	s3 =	simm.s32 @!p0 $0x1082;
	s9 =	sld [smem:$0x3FAF]  }
0x2f: {  	lr =	sadd.s32 s0, s3;
	s0 =	sld [smem:$0x3FA6]  }
0x30: {  	s3 =	sld [smem:$0x3FA9]  }
0x31: {  	[smem:$0x3FB2] =	sst s10  }
0x32: {  	s10 =	sld [smem:$0x3FB0];
	_ =	sdelay $0x3  }
0x33: {  	p0 =	seq.s32 s10, $0x1;
	s10 =	sld [smem:$0x3FB2];
	_ =	sdelay $0x3  }
0x34: {  	[smem:$0x3FB2] =	sst s10  }
0x35: {  	s10 =	sld [smem:$0x3FB1];
	_ =	sdelay $0x3  }
0x36: {  	p1 =	seq.s32 s10, $0x1;
	s10 =	sld [smem:$0x3FB2];
	_ =	sdelay $0x3  }
0x37: {  	[smem:$0x3FB2] =	sst s10  }
0x38: {  	s10 =	sld [smem:$0x3FB3]  }
0x39: {  	_ = 	snop;
	(pc) =	sbr.ind lr, $3  }
0x3a: {  	_ = 	snop  }
0x3b: {  	_ = 	snop  }
0x3c: {  	p2 =	seq.s32 s10, $0x1;
	s10 =	sld [smem:$0x3FB2]  }
0x3d: {  	_ =	shalt  }
0x3e: {  	_ =	shalt  }
0x3f: {  	_ =	shalt  }
0x40: {  	_ =	shalt  }
0x41: {  	_ =	shalt  }
0x42: {  	_ =	shalt  }
0x43: {  	_ =	shalt  }
0x44: {  	_ =	shalt  }
0x45: {  	_ =	shalt  }
0x46: {  	_ =	shalt  }
0x47: {  	_ =	shalt  }
0x48: {  	_ =	shalt  }
0x49: {  	_ =	shalt  }
0x4a: {  	_ =	shalt  }
0x4b: {  	_ =	shalt  }
0x4c: {  	_ =	shalt  }
0x4d: {  	_ =	shalt  }
0x4e: {  	_ =	shalt  }
0x4f: {  	_ =	shalt  }
0x50: {  	_ =	shalt  }
0x51: {  	_ =	shalt  }
0x52: {  	_ =	shalt  }
0x53: {  	_ =	shalt  }
0x54: {  	_ =	shalt  }
0x55: {  	_ =	shalt  }
0x56: {  	_ =	shalt  }
0x57: {  	_ =	shalt  }
0x58: {  	_ =	shalt  }
0x59: {  	_ =	shalt  }
0x5a: {  	_ =	shalt  }
0x5b: {  	_ =	shalt  }
0x5c: {  	_ =	shalt  }
0x5d: {  	_ =	shalt  }
0x5e: {  	_ =	shalt  }
0x5f: {  	_ =	shalt  }
0x60: {  	_ =	shalt  }
0x61: {  	_ =	shalt  }
0x62: {  	_ =	shalt  }
0x63: {  	_ =	shalt  }
0x64: {  	_ =	shalt  }
0x65: {  	_ =	shalt  }
0x66: {  	_ =	shalt  }
0x67: {  	_ =	shalt  }
0x68: {  	_ =	shalt  }
0x69: {  	_ =	shalt  }
0x6a: {  	_ =	shalt  }
0x6b: {  	_ =	shalt  }
0x6c: {  	_ =	shalt  }
0x6d: {  	_ =	shalt  }
0x6e: {  	_ =	shalt  }
0x6f: {  	_ =	shalt  }
0x70: {  	_ =	shalt  }
0x71: {  	_ =	shalt  }
0x72: {  	_ =	shalt  }
0x73: {  	_ =	shalt  }
0x74: {  	_ =	shalt  }
0x75: {  	_ =	shalt  }
0x76: {  	_ =	shalt  }
0x77: {  	_ =	shalt  }
0x78: {  	_ =	shalt  }
0x79: {  	_ =	shalt  }
0x7a: {  	_ =	shalt  }
0x7b: {  	_ =	shalt  }
0x7c: {  	_ =	shalt  }
0x7d: {  	_ =	shalt  }
0x7e: {  	_ =	shalt  }
0x7f: {  	_ =	shalt  }
0x80: {  	_ =	shalt  }
0x81: {  	_ =	shalt  }
0x82: {  	_ =	shalt  }
0x83: {  	_ =	shalt  }
0x84: {  	_ =	shalt  }
0x85: {  	_ =	shalt  }
0x86: {  	_ =	shalt  }
0x87: {  	_ =	shalt  }
.Lfunc_end0:
.L_simem_size_0:
called_computation.1_lowered:
.L_overlay_start_0:
0x88: {  	s2 =	sld [smem:$0x3FD9]  }
0x89: {  	s3 =	sld [smem:$0x3FFE];
	_ =	sdelay $0x1  }
0x8a: {  	s1 =	srdreg.scid  }
0x8b: {  	s0 =	sand.u32 $0x1, s1  }
0x8c: {  	s17 =	sshll.u32 s0, $0xA;
	s2 =	sadd.s32 s3, s2  }
0x8d: {  	s2 =	sadd.s32 s2, s17  }
0x8e: {  	[smem:$0x3FBE] =	sst s2  }
0x8f: {  	_ = 	snop  }
0x90: {  	(tm) =	ssettm $0x1  }
0x91: {  	s18 =	sld [smem:$0x3FFB];
	_ =	sdelay $0x3  }
0x92: {  	_ =	strace s18  }
0x93: {  	s2 =	sld [smem:$0x3FFC];
	_ =	sdelay $0x3  }
0x94: {  	_ =	strace s2  }
0x95: {  	s2 =	sld [smem:$0x3FFD];
	_ =	sdelay $0x3  }
0x96: {  	_ =	strace s2  }
0x97: {  	_ =	strace $0x8FFFFFFF  }
0x98: {  	s19 =	sld [smem:$0x3FDB];
	_ =	sdelay $0x1  }
0x99: {  	s20 =	simm.s32 $_scs_section_size  }
0x9a: {  	s4 =	simm.s32 $_size__tile_overlayer_lowered;
	s5 =	simm.s32 $_tile_overlayer_lowered  }
0x9b: {  	s6 =	simm.s32 $0x1BFF;
	s21 =	sshll.u32 s5, $0x1;
	s3 =	sadd.s32 s20, s19  }
0x9c: {  	s22 =	simm.s32 $0x0;
	s4 =	sshll.u32 s4, $0x1;
	s5 =	sadd.s32 s21, s3  }
0x9d: {  	[timem:s22], [sflag:s6] =	dma.local [hbm:s5], s4  }
0x9e: {  	_ =	swait.ge [sflag:s6], s4  }
0x9f: {  	s4 =	ssub.s32 $0x0, s4;
	[sflag:s6] =	ssyncset.done $0x0  }
0xa0: {  	[sflag:s6] =	ssyncadd.s32 s4;
	_ =	sdelay $0x1  }
0xa1: {  	s23 =	simm.s32 $0x1B8B  }
0xa2: {  	_ =	swait.ge [sflag:s23], $0x1  }
0xa3: {  	[sflag:s23] =	ssyncset.done $0x0  }
0xa4: {  	[sflag:s23] =	ssyncadd.s32 $0xFFFFFFFF  }
0xa5: {  	s4 =	sld [smem:$0x0]  }
0xa6: {  	s5 =	sand.u32 $0xFFFFFFFE, s1  }
0xa7: {  	p0 =	sne.s32 s1, s5  }
0xa8: {  	s5 =	sshll.u32 @p0 s5, $0xE  }
0xa9: {  	s5 =	sadd.s32 @p0 $0x11B8D, s5;
	s6 =	sshll.u32 @p0 s4, $0x11  }
0xaa: {  	s5 =	sor.u32 @p0 s6, s5  }
0xab: {  	[sflag:s5] =	ssyncadd.remote.s32 @p0 $0x1;
	_ =	sdelay $0x1  }
0xac: {  	s5 =	simm.s32 @p0 $0x1B8D  }
0xad: {  	_ =	swait.eq @p0 [sflag:s5], $0x1  }
0xae: {  	[sflag:s5] =	ssyncadd.s32 @p0 $0xFFFFFFFF  }
0xaf: {  	s6 =	sshll.u32 @!p0 s1, $0xE  }
0xb0: {  	s6 =	sor.u32 @!p0 $0x4000, s6;
	s5 =	simm.s32 @!p0 $0x1B8D  }
0xb1: {  	s4 =	sshll.u32 @!p0 s4, $0x11;
	s6 =	sadd.s32 @!p0 $0x11B8D, s6;
	_ =	swait.eq @!p0 [sflag:s5], $0x1  }
0xb2: {  	s4 =	sor.u32 @!p0 s4, s6;
	[sflag:s5] =	ssyncadd.s32 @!p0 $0xFFFFFFFF  }
0xb3: {  	s25 =	simm.s32 $0x1B8E;
	s24 =	sld [smem:$0x3FFE];
	[sflag:s4] =	ssyncadd.remote.s32 @!p0 $0x1  }
0xb4: {  	s26 =	simm.s32 $execute0_lowered;
	[smem:$0x3FD2] =	sst s25  }
0xb5: {  	s5 =	sshll.u32 s26, $0x1;
	_ =	strace $0x80000049;
	[dreg:$0x1] =	wrdreg $0xFFFFFFFF  }
0xb6: {  	s28 =	simm.s32 $_size_execute0_lowered;
	s3 =	sadd.s32 s3, s5;
	[dreg:$0x0] =	wrdreg $0x0  }
0xb7: {  	s5 =	sshll.u32 s28, $0x1;
	[dreg:$0x2] =	wrdreg s3  }
0xb8: {  	[dreg:$0x3] =	wrdreg s5  }
0xb9: {  	[dreg:$0x4] =	wrdreg $0xC0  }
0xba: {  	_ =	task [dreg:s22], $0x5FFFF  }
0xbb: {  	[dreg:$0x1] =	wrdreg $0xFFFFFFFF  }
0xbc: {  	[dreg:$0x0] =	wrdreg $0x60  }
0xbd: {  	[dreg:$0x2] =	wrdreg s24  }
0xbe: {  	[dreg:$0x3] =	wrdreg $0xA  }
0xbf: {  	_ =	task.clear_ibuf [dreg:s22], $0x4FFFF;
	_ =	strace $0x90000049  }
0xc0: {  	s29 =	simm.s32 $0xA;
	_ =	strace $0x8000004B  }
0xc1: {  	_ =	swait.ge [sflag:s29], $0x1  }
0xc2: {  	[sflag:s29] =	ssyncadd.s32 $0xFFFFFFFF  }
0xc3: {  	_ =	strace $0x9000004B  }
0xc4: {  	_ =	sfence  }
0xc5: {  	s30 =	sld [smem:$0x0];
	_ =	sdelay $0x2  }
0xc6: {  	s31 =	sshll.u32 s1, $0xD;
	s1 =	sshrl.u32 s1, $0x2  }
0xc7: {  	s4 =	sand.u32 $0x4000, s31;
	s1 =	sadd.s32 s1, s30  }
0xc8: {  	s0 =	sor.u32 s4, s0;
	s1 =	sshll.u32 s1, $0x11  }
0xc9: {  	s0 =	sor.u32 s1, s0  }
0xca: {  	s0 =	sadd.s32 $0x8F2B, s0  }
0xcb: {  	[sflag:s0] =	ssyncadd.remote.s32 $0x1  }
0xcc: {  	_ =	sfence.sel $0xFFFF  }
0xcd: {  	[dreg:$0x0] =	wrdreg $0xFFFFFFFF;
	(pc) =	sbr.abs _section_cstart, $3  }
0xce: {  	[dreg:$0x1] =	wrdreg $0xFFFFFFFF  }
0xcf: {  	_ =	task.clear_ibuf [dreg:s22], $0x2FFFF;
	_ =	strace $0x9FFFFFFF  }
0xd0: {  	(tm) =	ssettm $0x7FFFFFFF  }
0xd1: {  	_ =	shalt  }
tec
execute0_lowered:
.L_overlay_start_1:
0x0: {  	(tag) =	ssettag $0x1  }
0x1: {  	s1 =	srdreg.scid;
	s0 =	stileid.u32  }
0x2: {  	s1 =	sand.u32 $0x1, s1;
	s3 =	sshll.u32 s0, $0x1  }
0x3: {  	s3 =	sor.u32 s1, s3  }
0x4: {  	p0 =	sgt.u32 s3, $0x18  }
.Ltmp0:
0x5: {  	_ = 	snop;
	(pc) =	sbr.rel @p0 .LBB2_3-.Ltmp0, $4  }
0x6: {  	_ = 	snop  }
0x7: {  	s2 =	simm.s32 $0x0  }
0x8: {  	[smem:$0x7FF] =	sst s2  }
0x9: {  	s10 =	rddreg [dreg:$0x0];
	_ =	strace $0x8000004A  }
0xa: {  	s4 =	sshll.u32 s3, $0xD  }
0xb: {  	s5 =	sadd.s32 $0xBF200, s10;
	s17 =	sshll.u32 s3, $0x2;
	s18 =	simm.s32 $0x880  }
0xc: {  	s19 =	simm.s32 $0x1080;
	s20 =	simm.s32 $0x1880;
	s6 =	simm.s32 $0x2080  }
0xd: {  	s7 =	simm.s32 $0x2880;
	s8 =	simm.s32 $0x3080;
	[dreg:$0x4] =	wrdreg s18  }
0xe: {  	s9 =	simm.s32 $0x3880;
	s11 =	simm.s32 $0x4080;
	[dreg:$0x5] =	wrdreg s19  }
0xf: {  	s21 =	simm.s32 $0x4880;
	s22 =	simm.s32 $0x5080;
	[dreg:$0x6] =	wrdreg s20  }
0x10: {  	s1 =	ssub.s32 $0x2, s1;
	s23 =	simm.s32 $0x5880;
	[dreg:$0x7] =	wrdreg s6  }
0x11: {  	s24 =	simm.s32 $0x6080;
	s25 =	simm.s32 $0x6880;
	[dreg:$0x8] =	wrdreg s7  }
0x12: {  	s26 =	simm.s32 $0x7080;
	s13 =	simm.s32 $0x80;
	[dreg:$0x9] =	wrdreg s8  }
0x13: {  	s15 =	simm.s32 $0x8080;
	s16 =	simm.s32 $0x8880;
	[dreg:$0xa] =	wrdreg s9  }
0x14: {  	s28 =	simm.s32 $0xE080;
	s29 =	simm.s32 $0xE880;
	[dreg:$0xb] =	wrdreg s11  }
0x15: {  	s30 =	simm.s32 $0xF080;
	s31 =	simm.s32 $0xF880;
	[dreg:$0xc] =	wrdreg s21  }
0x16: {  	s4 =	sadd.s32 s4, s10;
	s3 =	sadd.s32 s5, s17;
	[dreg:$0xd] =	wrdreg s22  }
0x17: {  	s5 =	sadd.s32 $0xBF600, s10;
	s6 =	sadd.s32 $0xBF700, s10;
	[dreg:$0xe] =	wrdreg s23  }
0x18: {  	s7 =	sadd.s32 $0xBF800, s10;
	s8 =	sadd.s32 $0xBF900, s10;
	[dreg:$0xf] =	wrdreg s24  }
0x19: {  	s9 =	sadd.s32 $0xBFA00, s10;
	s12 =	sshrl.u32 s1, $0x1;
	[dreg:$0x10] =	wrdreg s25  }
0x1a: {  	[dreg:$0x11] =	wrdreg s26;
	s17 =	simm.s32 $0x9080;
	s18 =	simm.s32 $0x9880  }
0x1b: {  	s19 =	simm.s32 $0xA080;
	s20 =	simm.s32 $0xA880;
	s21 =	simm.s32 $0xB080  }
0x1c: {  	s22 =	simm.s32 $0xB880;
	s23 =	simm.s32 $0xC080;
	s24 =	simm.s32 $0xC880  }
0x1d: {  	s25 =	simm.s32 $0xD080;
	s26 =	simm.s32 $0xD880;
	s4 =	sadd.s32 $0x13C400, s4  }
0x1e: {  	v2 =	vlaneseq.u32;
	[dreg:$0x3] =	wrdreg s3;
	s3 =	sadd.s32 $0xBF400, s10;
	s1 =	ssub.s32 s1, s12  }
0x1f: {  	vm0 =	vmmov $0xffff;
	v1 =	vshrl.u32 v2, $0x3;
	s12 =	simm.s32 $0x2;
	[dreg:$0x2] =	wrdreg s4;
	s4 =	sadd.s32 $0xBF500, s10  }
0x20: {  	v0 =	vand.u32 $0x7, v2;
	v2 =	vor.u32 $0x8, v2;
	v1 =	vmul.u32 $0x8, v1;
	s10 =	sadd.s32 $0xBFB00, s10;
	s11 =	smax.u32 s1, $0x1;
	s1 =	simm.s32 $0x1  }
.LBB2_2:
0x21: {  	s0 =	rddreg [dreg:$0x3]  }
0x22: {  	[tilespmem:s2], [sflag:$0x2] =	stream.linear.gather [hbm4b:s0+s2], $0x20, $0x38;
	[tilespmem:$0x10080] =	vst v63  }
0x23: {  	_ =	swait.ge [sflag:s12], $0x20  }
0x24: {  	[sflag:s12] =	ssyncset.done $0x0  }
0x25: {  	[sflag:s12] =	ssyncadd.s32 $0xFFFFFFE0  }
0x26: {  	v3 =	vld [tilespmem:$0x0];
	_ =	sdelay $0x4  }
0x27: {  	v4 =	vshll.u32 v3, $0x4  }
0x28: {  	v3 =	vand.u32 $0x7, v3;
	v4 =	vand.u32 $0xFFFFFF80, v4  }
0x29: {  	v3 =	vor.u32 v3, v4  }
0x2a: {  	v4 =	vperm.xlane v3, v0;
	_ =	sdelay $0x1  }
0x2b: {  	v4 =	vadd.s32 v1, v4;
	_ =	sdelay $0x4  }
0x2c: {  	[tilespmem:s13], [sflag:$0x1] =	stream.indirect_vreg.gather [hbm4b:s3+s2], $0x80, v4, vm0, $0xb8;
	[tilespmem:$0x10080] =	vst v63  }
0x2d: {  	s0 =	rddreg [dreg:$0x4]  }
0x2e: {  	[tilespmem:s0], [sflag:$0x1] =	stream.indirect_vreg.gather [hbm4b:s4+s2], $0x80, v4, vm0, $0xb8;
	[tilespmem:$0x10080] =	vst v63  }
0x2f: {  	s14 =	rddreg [dreg:$0x5]  }
0x30: {  	[tilespmem:s14], [sflag:$0x1] =	stream.indirect_vreg.gather [hbm4b:s5+s2], $0x80, v4, vm0, $0xb8;
	[tilespmem:$0x10080] =	vst v63  }
0x31: {  	s0 =	rddreg [dreg:$0x6]  }
0x32: {  	[tilespmem:s0], [sflag:$0x1] =	stream.indirect_vreg.gather [hbm4b:s6+s2], $0x80, v4, vm0, $0xb8;
	[tilespmem:$0x10080] =	vst v63  }
0x33: {  	s14 =	rddreg [dreg:$0x7]  }
0x34: {  	[tilespmem:s14], [sflag:$0x1] =	stream.indirect_vreg.gather [hbm4b:s7+s2], $0x80, v4, vm0, $0xb8;
	[tilespmem:$0x10080] =	vst v63  }
0x35: {  	v3 =	vperm.xlane v3, v2;
	s0 =	rddreg [dreg:$0x8]  }
0x36: {  	[tilespmem:s0], [sflag:$0x1] =	stream.indirect_vreg.gather [hbm4b:s8+s2], $0x80, v4, vm0, $0xb8;
	[tilespmem:$0x10080] =	vst v63  }
0x37: {  	v3 =	vadd.s32 v1, v3;
	s14 =	rddreg [dreg:$0x9]  }
0x38: {  	[tilespmem:s14], [sflag:$0x1] =	stream.indirect_vreg.gather [hbm4b:s9+s2], $0x80, v4, vm0, $0xb8;
	[tilespmem:$0x10080] =	vst v63  }
0x39: {  	s0 =	rddreg [dreg:$0xa]  }
0x3a: {  	[tilespmem:s0], [sflag:$0x1] =	stream.indirect_vreg.gather [hbm4b:s10+s2], $0x80, v4, vm0, $0xb8;
	[tilespmem:$0x10080] =	vst v63  }
0x3b: {  	s14 =	rddreg [dreg:$0xb]  }
0x3c: {  	[tilespmem:s14], [sflag:$0x1] =	stream.indirect_vreg.gather [hbm4b:s3+s2], $0x80, v3, vm0, $0xb8;
	[tilespmem:$0x10080] =	vst v63  }
0x3d: {  	s0 =	rddreg [dreg:$0xc]  }
0x3e: {  	[tilespmem:s0], [sflag:$0x1] =	stream.indirect_vreg.gather [hbm4b:s4+s2], $0x80, v3, vm0, $0xb8;
	[tilespmem:$0x10080] =	vst v63  }
0x3f: {  	s14 =	rddreg [dreg:$0xd]  }
0x40: {  	[tilespmem:s14], [sflag:$0x1] =	stream.indirect_vreg.gather [hbm4b:s5+s2], $0x80, v3, vm0, $0xb8;
	[tilespmem:$0x10080] =	vst v63  }
0x41: {  	s0 =	rddreg [dreg:$0xe]  }
0x42: {  	[tilespmem:s0], [sflag:$0x1] =	stream.indirect_vreg.gather [hbm4b:s6+s2], $0x80, v3, vm0, $0xb8;
	[tilespmem:$0x10080] =	vst v63  }
0x43: {  	s14 =	rddreg [dreg:$0xf]  }
0x44: {  	[tilespmem:s14], [sflag:$0x1] =	stream.indirect_vreg.gather [hbm4b:s7+s2], $0x80, v3, vm0, $0xb8;
	[tilespmem:$0x10080] =	vst v63  }
0x45: {  	s0 =	rddreg [dreg:$0x10]  }
0x46: {  	[tilespmem:s0], [sflag:$0x1] =	stream.indirect_vreg.gather [hbm4b:s8+s2], $0x80, v3, vm0, $0xb8;
	[tilespmem:$0x10080] =	vst v63  }
0x47: {  	s14 =	rddreg [dreg:$0x11]  }
0x48: {  	[tilespmem:s14], [sflag:$0x1] =	stream.indirect_vreg.gather [hbm4b:s9+s2], $0x80, v3, vm0, $0xb8;
	[tilespmem:$0x10080] =	vst v63  }
0x49: {  	s14 =	simm.s32 $0x7880  }
0x4a: {  	[tilespmem:s14], [sflag:$0x1] =	stream.indirect_vreg.gather [hbm4b:s10+s2], $0x80, v3, vm0, $0xb8;
	[tilespmem:$0x10080] =	vst v63  }
0x4b: {  	v3 =	vld [tilespmem:$0x10];
	_ =	sdelay $0x4  }
0x4c: {  	v63 =	vshll.u32 v3, $0x4  }
0x4d: {  	v3 =	vand.u32 $0x7, v3;
	v4 =	vand.u32 $0xFFFFFF80, v63  }
0x4e: {  	v3 =	vor.u32 v3, v4  }
0x4f: {  	v4 =	vperm.xlane v3, v0;
	_ =	sdelay $0x1  }
0x50: {  	v4 =	vadd.s32 v1, v4;
	_ =	sdelay $0x4  }
0x51: {  	[tilespmem:s15], [sflag:$0x1] =	stream.indirect_vreg.gather [hbm4b:s3+s2], $0x80, v4, vm0, $0xb8;
	[tilespmem:$0x10080] =	vst v63  }
0x52: {  	_ = 	snop  }
0x53: {  	[tilespmem:s16], [sflag:$0x1] =	stream.indirect_vreg.gather [hbm4b:s4+s2], $0x80, v4, vm0, $0xb8;
	[tilespmem:$0x10080] =	vst v63  }
0x54: {  	_ = 	snop  }
0x55: {  	[tilespmem:s17], [sflag:$0x1] =	stream.indirect_vreg.gather [hbm4b:s5+s2], $0x80, v4, vm0, $0xb8;
	[tilespmem:$0x10080] =	vst v63  }
0x56: {  	_ = 	snop  }
0x57: {  	[tilespmem:s18], [sflag:$0x1] =	stream.indirect_vreg.gather [hbm4b:s6+s2], $0x80, v4, vm0, $0xb8;
	[tilespmem:$0x10080] =	vst v63  }
0x58: {  	_ = 	snop  }
0x59: {  	[tilespmem:s19], [sflag:$0x1] =	stream.indirect_vreg.gather [hbm4b:s7+s2], $0x80, v4, vm0, $0xb8;
	[tilespmem:$0x10080] =	vst v63  }
0x5a: {  	v3 =	vperm.xlane v3, v2  }
0x5b: {  	[tilespmem:s20], [sflag:$0x1] =	stream.indirect_vreg.gather [hbm4b:s8+s2], $0x80, v4, vm0, $0xb8;
	[tilespmem:$0x10080] =	vst v63  }
0x5c: {  	v3 =	vadd.s32 v1, v3  }
0x5d: {  	[tilespmem:s21], [sflag:$0x1] =	stream.indirect_vreg.gather [hbm4b:s9+s2], $0x80, v4, vm0, $0xb8;
	[tilespmem:$0x10080] =	vst v63  }
0x5e: {  	_ = 	snop  }
0x5f: {  	[tilespmem:s22], [sflag:$0x1] =	stream.indirect_vreg.gather [hbm4b:s10+s2], $0x80, v4, vm0, $0xb8;
	[tilespmem:$0x10080] =	vst v63  }
0x60: {  	_ = 	snop  }
0x61: {  	[tilespmem:s23], [sflag:$0x1] =	stream.indirect_vreg.gather [hbm4b:s3+s2], $0x80, v3, vm0, $0xb8;
	[tilespmem:$0x10080] =	vst v63  }
0x62: {  	_ = 	snop  }
0x63: {  	[tilespmem:s24], [sflag:$0x1] =	stream.indirect_vreg.gather [hbm4b:s4+s2], $0x80, v3, vm0, $0xb8;
	[tilespmem:$0x10080] =	vst v63  }
0x64: {  	_ = 	snop  }
0x65: {  	[tilespmem:s25], [sflag:$0x1] =	stream.indirect_vreg.gather [hbm4b:s5+s2], $0x80, v3, vm0, $0xb8;
	[tilespmem:$0x10080] =	vst v63  }
0x66: {  	_ = 	snop  }
0x67: {  	[tilespmem:s26], [sflag:$0x1] =	stream.indirect_vreg.gather [hbm4b:s6+s2], $0x80, v3, vm0, $0xb8;
	[tilespmem:$0x10080] =	vst v63  }
0x68: {  	_ = 	snop  }
0x69: {  	[tilespmem:s28], [sflag:$0x1] =	stream.indirect_vreg.gather [hbm4b:s7+s2], $0x80, v3, vm0, $0xb8;
	[tilespmem:$0x10080] =	vst v63  }
0x6a: {  	_ = 	snop  }
0x6b: {  	[tilespmem:s29], [sflag:$0x1] =	stream.indirect_vreg.gather [hbm4b:s8+s2], $0x80, v3, vm0, $0xb8;
	[tilespmem:$0x10080] =	vst v63  }
0x6c: {  	_ = 	snop  }
0x6d: {  	[tilespmem:s30], [sflag:$0x1] =	stream.indirect_vreg.gather [hbm4b:s9+s2], $0x80, v3, vm0, $0xb8;
	[tilespmem:$0x10080] =	vst v63  }
0x6e: {  	_ = 	snop  }
0x6f: {  	[tilespmem:s31], [sflag:$0x1] =	stream.indirect_vreg.gather [hbm4b:s10+s2], $0x80, v3, vm0, $0xb8;
	[tilespmem:$0x10080] =	vst v63  }
0x70: {  	_ =	swait.ge [sflag:s1], $0x10000  }
0x71: {  	p0 =	sne.s32 s11, $0x1;
	[sflag:s1] =	ssyncset.done $0x0  }
.Ltmp1:
0x72: {  	s14 =	rddreg [dreg:$0x2];
	[sflag:s1] =	ssyncadd.s32 $0xFFFF0000;
	(pc) =	sbr.rel @p0 .LBB2_2-.Ltmp1, $4  }
0x73: {  	[hbm4b:s14+s2] =	stream.linear.scatter [tilespmem:s13], [sflag:$0x2], $0x10000, $0x38;
	[tilespmem:$0x10080] =	vst v63  }
0x74: {  	_ =	swait.ge [sflag:s12], $0x10000  }
0x75: {  	[sflag:s12] =	ssyncset.done $0x0  }
0x76: {  	s11 =	sadd.s32 $0xFFFFFFFF, s11;
	[sflag:s12] =	ssyncadd.s32 $0xFFFF0000  }
.LBB2_3:
0x77: {  	_ =	sfence.sel $0x180000  }
0x78: {  	[bflag:$0x0] =	sbarrier.arrive $0xFFFF  }
0x79: {  	_ =	strace $0x9000004A  }
0x7a: {  	s0 =	stileid.u32;
	[bflag:$0x2] =	sbarrier.arrive $0xFFFF  }
0x7b: {  	p0 =	sne.s32 s0, $0x0;
	s0 =	rddreg [dreg:$0x1]  }
0x7c: {  	s0 =	sadd.s32 @!p0 $0x100000, s0  }
0x7d: {  	[sflag:s0] =	ssyncadd.tile.s32 @!p0 $0x1;
	_ =	shalt  }
.Lfunc_end2:
_tile_overlayer_lowered:
.L_overlay_start_2:
0x7e: {  	(tag) =	ssettag $0x2  }
0x7f: {  	s0 =	rddreg [dreg:$0x0];
	s2 =	stileid.u32  }
0x80: {  	s1 =	rddreg [dreg:$0x1];
	p0 =	sne.s32 s2, $0x0  }
0x81: {  	s3 =	rddreg [dreg:$0x2];
	[bflag:$0x3] =	sbarrier.arrive $0xFFFF;
	s2 =	simm.s32 @!p0 $0x1C02  }
0x82: {  	[timem:s3], [sflag:s2] =	dma.local @!p0 [hbm:s0], s1  }
0x83: {  	s0 =	simm.s32 @!p0 $0x2  }
0x84: {  	_ =	swait.ge @!p0 [sflag:s0], s1  }
0x85: {  	s1 =	ssub.s32 @!p0 $0x0, s1;
	[sflag:s0] =	ssyncset.done @!p0 $0x0  }
0x86: {  	[sflag:s0] =	ssyncadd.s32 @!p0 s1  }
0x87: {  	[bflag:$0x3] =	sbarrier.arrive $0xFFFF  }
0x88: {  	_ =	shalt  }

</sc_bundles>
